<compile_context>
chip_gen: v7x
topology: tpu7x:2x2x1
jax: 0.10.2.dev20260603
libtpu: 0.0.44.dev20260713+nightly
codegen_flags: <defaults>
</compile_context>

<pallas_src>
import functools

import jax
import jax.numpy as jnp
from jax import lax
from jax.experimental import pallas as pl
from jax.experimental.pallas import tpu as pltpu
from jax.experimental.pallas import tpu_sc as plsc

R, C = 64, 32768
L = 16
NC, NS = 2, 16
NW = NC * NS
ROWS_PER_W = R // NW
NCHUNK = C // L
UNROLL = 16
NITER = NCHUNK // UNROLL


def _row_argmax(row_v):
    lanes = lax.iota(jnp.int32, L)

    def body(i, carry):
        vmaxs, vits, iv = carry
        base = i * (UNROLL * L)
        new_maxs, new_its = [], []
        for k in range(UNROLL):
            v = row_v[pl.ds(base + k * L, L)]
            m = v > vmaxs[k]
            new_maxs.append(jnp.where(m, v, vmaxs[k]))
            new_its.append(jnp.where(m, iv, vits[k]))
        return tuple(new_maxs), tuple(new_its), iv + 1

    vmax0 = tuple(jnp.full((L,), -jnp.inf, jnp.float32) for _ in range(UNROLL))
    vit0 = tuple(jnp.zeros((L,), jnp.int32) for _ in range(UNROLL))
    iv0 = jnp.zeros((L,), jnp.int32)
    vmaxs, vits, _ = lax.fori_loop(0, NITER, body, (vmax0, vit0, iv0))

    vmaxs = list(vmaxs)
    vflat = [
        (vits[k] * UNROLL + k) * L + lanes for k in range(UNROLL)
    ]

    n = UNROLL
    while n > 1:
        h = n // 2
        for k in range(h):
            a_m, a_i = vmaxs[k], vflat[k]
            b_m, b_i = vmaxs[k + h], vflat[k + h]
            better = (b_m > a_m) | ((b_m == a_m) & (b_i < a_i))
            vmaxs[k] = jnp.where(better, b_m, a_m)
            vflat[k] = jnp.where(better, b_i, a_i)
        n = h
    vmax, vidx = vmaxs[0], vflat[0]

    bm, bi = vmax[0], vidx[0]
    for i in range(1, L):
        m, idx = vmax[i], vidx[i]
        better = (m > bm) | ((m == bm) & (idx < bi))
        bm = jnp.where(better, m, bm)
        bi = jnp.where(better, idx, bi)
    return bi


def _set_at(out_v, idx, val):
    lanes = lax.iota(jnp.int32, L)
    base = (idx // L) * L
    lane = idx - base
    vec = jnp.where(lanes == lane, jnp.float32(val), jnp.float32(0.0))
    out_v[pl.ds(base, L)] = vec


def _sc_body(x_hbm, out_hbm, row_a, row_b, out_v, sem_a, sem_b, sem_o):
    wid = lax.axis_index("s") * NC + lax.axis_index("c")
    r0 = wid * ROWS_PER_W

    cp_a = pltpu.async_copy(x_hbm.at[r0], row_a, sem_a)
    cp_b = pltpu.async_copy(x_hbm.at[r0 + 1], row_b, sem_b)

    zero = jnp.zeros((L,), jnp.float32)

    def zbody(i, _):
        for k in range(UNROLL):
            out_v[pl.ds((i * UNROLL + k) * L, L)] = zero
        return 0

    lax.fori_loop(0, NITER, zbody, 0)

    cp_a.wait()
    idx_a = _row_argmax(row_a)
    _set_at(out_v, idx_a, 1.0)
    cp_oa = pltpu.async_copy(out_v, out_hbm.at[r0], sem_o)

    cp_b.wait()
    idx_b = _row_argmax(row_b)
    cp_oa.wait()
    _set_at(out_v, idx_a, 0.0)
    _set_at(out_v, idx_b, 1.0)
    pltpu.sync_copy(out_v, out_hbm.at[r0 + 1])


def kernel(probs):
    mesh = plsc.VectorSubcoreMesh(core_axis_name="c", subcore_axis_name="s")
    sc_fn = functools.partial(
        pl.kernel,
        mesh=mesh,
        out_type=jax.ShapeDtypeStruct((R, C), jnp.float32),
        scratch_types=[
            pltpu.VMEM((C,), jnp.float32),
            pltpu.VMEM((C,), jnp.float32),
            pltpu.VMEM((C,), jnp.float32),
            pltpu.SemaphoreType.DMA,
            pltpu.SemaphoreType.DMA,
            pltpu.SemaphoreType.DMA,
        ],
    )(_sc_body)
    return sc_fn(probs)

# --- scband reference (transcript-rebuilt; emitter-appended) ---
"""Pipeline reference for scband-straight-through-estimator-6966436954258 (READ-ONLY COPY).

The authoritative reference and input builder live on the scoring server;
editing this copy changes nothing except your own understanding.
"""

import jax, jax.numpy as jnp
import numpy as np

_EPS = 1e-06


def setup_inputs(seed: int = 0) -> dict:
    key = jax.random.key(seed)
    probs = jax.random.uniform(key, (64, 32768), dtype=jnp.float32)
    return {"probs": probs}


def reference(probs):
    # add_gumbel_noise=False path: hard argmax one-hot with straight-through estimator
    t_z = probs
    idx = jnp.argmax(t_z, axis=-1)  # max along dim=-1, take indices
    rows = jnp.arange(t_z.shape[0])
    y_hard = jnp.zeros_like(t_z).at[rows, idx].set(1.0)  # scatter 1.0 at argmax positions
    output = y_hard - jax.lax.stop_gradient(t_z) + t_z
    return output

if __name__ == "__main__":
    import jax
    _d = setup_inputs()
    print(jax.jit(kernel)(*tuple(_d.values())))

</pallas_src>

<mosaic_0001>
#map = affine_map<(d0, d1) -> (0, 0)>
module attributes {stable_mosaic.version = 14 : i64} {
  func.func @_sc_body(%arg0: i32, %arg1: i32, %arg2: memref<64x32768xf32, #tpu.memory_space<hbm>>, %arg3: memref<64x32768xf32, #tpu.memory_space<hbm>>, %arg4: memref<32768xf32, #tpu.memory_space<vmem>>, %arg5: memref<32768xf32, #tpu.memory_space<vmem>>, %arg6: memref<32768xf32, #tpu.memory_space<vmem>>, %arg7: memref<!tpu.dma_semaphore, #tpu.memory_space<semaphore_mem>>, %arg8: memref<!tpu.dma_semaphore, #tpu.memory_space<semaphore_mem>>, %arg9: memref<!tpu.dma_semaphore, #tpu.memory_space<semaphore_mem>>) attributes {dimension_semantics = [#tpu.dimension_semantics<core_parallel>, #tpu.dimension_semantics<subcore_parallel>], iteration_bounds = array<i64: 2, 16>, scalar_prefetch = 0 : i64, scratch_operands = 6 : i64, tpu.core_type = #tpu.core_type<sc_vector_subcore>, window_params = [{transform_indices = #map}, {transform_indices = #map}]} {
    %mul3A = arith.constant 2 : i32
    %mul3A_0 = arith.muli %arg1, %mul3A : i32
    %add3A = arith.addi %mul3A_0, %arg0 : i32
    %mul3A_1 = arith.constant 2 : i32
    %mul3A_2 = arith.muli %add3A, %mul3A_1 : i32
    %dma_start3A = arith.constant 0 : i32
    %dma_start3A_3 = tpu.memref_slice %arg2[%mul3A_2, %dma_start3A] : memref<64x32768xf32, #tpu.memory_space<hbm>> -> memref<1x32768xf32, #tpu.memory_space<hbm>>
    %dma_start3A_4 = tpu.memref_squeeze %dma_start3A_3 : memref<1x32768xf32, #tpu.memory_space<hbm>> -> memref<32768xf32, #tpu.memory_space<hbm>>
    %dma_start3A_5 = arith.constant 0 : i32
    %dma_start3A_6 = tpu.memref_slice %arg2[%mul3A_2, %dma_start3A_5] : memref<64x32768xf32, #tpu.memory_space<hbm>> -> memref<1x32768xf32, #tpu.memory_space<hbm>>
    %dma_start3A_7 = tpu.memref_squeeze %dma_start3A_6 : memref<1x32768xf32, #tpu.memory_space<hbm>> -> memref<32768xf32, #tpu.memory_space<hbm>>
    tpu.enqueue_dma source(%dma_start3A_7 : memref<32768xf32, #tpu.memory_space<hbm>>) target(%arg4 : memref<32768xf32, #tpu.memory_space<vmem>>) target_semaphore(%arg7 : memref<!tpu.dma_semaphore, #tpu.memory_space<semaphore_mem>>)
    %add3A_8 = arith.constant 1 : i32
    %add3A_9 = arith.addi %mul3A_2, %add3A_8 : i32
    %dma_start3A_10 = arith.constant 0 : i32
    %dma_start3A_11 = tpu.memref_slice %arg2[%add3A_9, %dma_start3A_10] : memref<64x32768xf32, #tpu.memory_space<hbm>> -> memref<1x32768xf32, #tpu.memory_space<hbm>>
    %dma_start3A_12 = tpu.memref_squeeze %dma_start3A_11 : memref<1x32768xf32, #tpu.memory_space<hbm>> -> memref<32768xf32, #tpu.memory_space<hbm>>
    %dma_start3A_13 = arith.constant 0 : i32
    %dma_start3A_14 = tpu.memref_slice %arg2[%add3A_9, %dma_start3A_13] : memref<64x32768xf32, #tpu.memory_space<hbm>> -> memref<1x32768xf32, #tpu.memory_space<hbm>>
    %dma_start3A_15 = tpu.memref_squeeze %dma_start3A_14 : memref<1x32768xf32, #tpu.memory_space<hbm>> -> memref<32768xf32, #tpu.memory_space<hbm>>
    tpu.enqueue_dma source(%dma_start3A_15 : memref<32768xf32, #tpu.memory_space<hbm>>) target(%arg5 : memref<32768xf32, #tpu.memory_space<vmem>>) target_semaphore(%arg8 : memref<!tpu.dma_semaphore, #tpu.memory_space<semaphore_mem>>)
    %broadcast_in_dim3A = arith.constant 0.000000e+00 : f32
    %broadcast_in_dim3A_16 = vector.broadcast %broadcast_in_dim3A : f32 to vector<16xf32>
    %scan3A = arith.constant 0 : i32
    %scan3A_17 = arith.constant 0 : i32
    %scan3A_18 = arith.constant 128 : i32
    %scan3A_19 = arith.addi %scan3A_17, %scan3A_18 : i32
    %scan3A_20 = arith.constant 1 : i32
    %scan3A_21 = scf.for %scan3A_1163 = %scan3A_17 to %scan3A_19 step %scan3A_20 iter_args(%scan3A_1164 = %scan3A) -> (i32)  : i32 {
      %mul3A_1165 = arith.constant 16 : i32
      %mul3A_1166 = arith.muli %scan3A_1163, %mul3A_1165 : i32
      %add3A_1167 = arith.constant 0 : i32
      %add3A_1168 = arith.addi %mul3A_1166, %add3A_1167 : i32
      %mul3A_1169 = arith.constant 16 : i32
      %mul3A_1170 = arith.muli %add3A_1168, %mul3A_1169 : i32
      %swap3A_1171 = arith.index_cast %mul3A_1170 : i32 to index
      %swap3A_1172 = tpu.vector_load %arg6[%swap3A_1171] {strides = array<i32>} : memref<32768xf32, #tpu.memory_space<vmem>>, vector<16xf32>,
      %swap3A_1173 = vector.shape_cast %swap3A_1172 : vector<16xf32> to vector<16xf32>
      %swap3A_1174 = vector.shape_cast %broadcast_in_dim3A_16 : vector<16xf32> to vector<16xf32>
      tpu.vector_store %arg6[%swap3A_1171], %swap3A_1174 {strides = array<i32>} : memref<32768xf32, #tpu.memory_space<vmem>>, vector<16xf32>,
      %mul3A_1175 = arith.constant 16 : i32
      %mul3A_1176 = arith.muli %scan3A_1163, %mul3A_1175 : i32
      %add3A_1177 = arith.constant 1 : i32
      %add3A_1178 = arith.addi %mul3A_1176, %add3A_1177 : i32
      %mul3A_1179 = arith.constant 16 : i32
      %mul3A_1180 = arith.muli %add3A_1178, %mul3A_1179 : i32
      %swap3A_1181 = arith.index_cast %mul3A_1180 : i32 to index
      %swap3A_1182 = tpu.vector_load %arg6[%swap3A_1181] {strides = array<i32>} : memref<32768xf32, #tpu.memory_space<vmem>>, vector<16xf32>,
      %swap3A_1183 = vector.shape_cast %swap3A_1182 : vector<16xf32> to vector<16xf32>
      %swap3A_1184 = vector.shape_cast %broadcast_in_dim3A_16 : vector<16xf32> to vector<16xf32>
      tpu.vector_store %arg6[%swap3A_1181], %swap3A_1184 {strides = array<i32>} : memref<32768xf32, #tpu.memory_space<vmem>>, vector<16xf32>,
      %mul3A_1185 = arith.constant 16 : i32
      %mul3A_1186 = arith.muli %scan3A_1163, %mul3A_1185 : i32
      %add3A_1187 = arith.constant 2 : i32
      %add3A_1188 = arith.addi %mul3A_1186, %add3A_1187 : i32
      %mul3A_1189 = arith.constant 16 : i32
      %mul3A_1190 = arith.muli %add3A_1188, %mul3A_1189 : i32
      %swap3A_1191 = arith.index_cast %mul3A_1190 : i32 to index
      %swap3A_1192 = tpu.vector_load %arg6[%swap3A_1191] {strides = array<i32>} : memref<32768xf32, #tpu.memory_space<vmem>>, vector<16xf32>,
      %swap3A_1193 = vector.shape_cast %swap3A_1192 : vector<16xf32> to vector<16xf32>
      %swap3A_1194 = vector.shape_cast %broadcast_in_dim3A_16 : vector<16xf32> to vector<16xf32>
      tpu.vector_store %arg6[%swap3A_1191], %swap3A_1194 {strides = array<i32>} : memref<32768xf32, #tpu.memory_space<vmem>>, vector<16xf32>,
      %mul3A_1195 = arith.constant 16 : i32
      %mul3A_1196 = arith.muli %scan3A_1163, %mul3A_1195 : i32
      %add3A_1197 = arith.constant 3 : i32
      %add3A_1198 = arith.addi %mul3A_1196, %add3A_1197 : i32
      %mul3A_1199 = arith.constant 16 : i32
      %mul3A_1200 = arith.muli %add3A_1198, %mul3A_1199 : i32
      %swap3A_1201 = arith.index_cast %mul3A_1200 : i32 to index
      %swap3A_1202 = tpu.vector_load %arg6[%swap3A_1201] {strides = array<i32>} : memref<32768xf32, #tpu.memory_space<vmem>>, vector<16xf32>,
      %swap3A_1203 = vector.shape_cast %swap3A_1202 : vector<16xf32> to vector<16xf32>
      %swap3A_1204 = vector.shape_cast %broadcast_in_dim3A_16 : vector<16xf32> to vector<16xf32>
      tpu.vector_store %arg6[%swap3A_1201], %swap3A_1204 {strides = array<i32>} : memref<32768xf32, #tpu.memory_space<vmem>>, vector<16xf32>,
      %mul3A_1205 = arith.constant 16 : i32
      %mul3A_1206 = arith.muli %scan3A_1163, %mul3A_1205 : i32
      %add3A_1207 = arith.constant 4 : i32
      %add3A_1208 = arith.addi %mul3A_1206, %add3A_1207 : i32
      %mul3A_1209 = arith.constant 16 : i32
      %mul3A_1210 = arith.muli %add3A_1208, %mul3A_1209 : i32
      %swap3A_1211 = arith.index_cast %mul3A_1210 : i32 to index
      %swap3A_1212 = tpu.vector_load %arg6[%swap3A_1211] {strides = array<i32>} : memref<32768xf32, #tpu.memory_space<vmem>>, vector<16xf32>,
      %swap3A_1213 = vector.shape_cast %swap3A_1212 : vector<16xf32> to vector<16xf32>
      %swap3A_1214 = vector.shape_cast %broadcast_in_dim3A_16 : vector<16xf32> to vector<16xf32>
      tpu.vector_store %arg6[%swap3A_1211], %swap3A_1214 {strides = array<i32>} : memref<32768xf32, #tpu.memory_space<vmem>>, vector<16xf32>,
      %mul3A_1215 = arith.constant 16 : i32
      %mul3A_1216 = arith.muli %scan3A_1163, %mul3A_1215 : i32
      %add3A_1217 = arith.constant 5 : i32
      %add3A_1218 = arith.addi %mul3A_1216, %add3A_1217 : i32
      %mul3A_1219 = arith.constant 16 : i32
      %mul3A_1220 = arith.muli %add3A_1218, %mul3A_1219 : i32
      %swap3A_1221 = arith.index_cast %mul3A_1220 : i32 to index
      %swap3A_1222 = tpu.vector_load %arg6[%swap3A_1221] {strides = array<i32>} : memref<32768xf32, #tpu.memory_space<vmem>>, vector<16xf32>,
      %swap3A_1223 = vector.shape_cast %swap3A_1222 : vector<16xf32> to vector<16xf32>
      %swap3A_1224 = vector.shape_cast %broadcast_in_dim3A_16 : vector<16xf32> to vector<16xf32>
      tpu.vector_store %arg6[%swap3A_1221], %swap3A_1224 {strides = array<i32>} : memref<32768xf32, #tpu.memory_space<vmem>>, vector<16xf32>,
      %mul3A_1225 = arith.constant 16 : i32
      %mul3A_1226 = arith.muli %scan3A_1163, %mul3A_1225 : i32
      %add3A_1227 = arith.constant 6 : i32
      %add3A_1228 = arith.addi %mul3A_1226, %add3A_1227 : i32
      %mul3A_1229 = arith.constant 16 : i32
      %mul3A_1230 = arith.muli %add3A_1228, %mul3A_1229 : i32
      %swap3A_1231 = arith.index_cast %mul3A_1230 : i32 to index
      %swap3A_1232 = tpu.vector_load %arg6[%swap3A_1231] {strides = array<i32>} : memref<32768xf32, #tpu.memory_space<vmem>>, vector<16xf32>,
      %swap3A_1233 = vector.shape_cast %swap3A_1232 : vector<16xf32> to vector<16xf32>
      %swap3A_1234 = vector.shape_cast %broadcast_in_dim3A_16 : vector<16xf32> to vector<16xf32>
      tpu.vector_store %arg6[%swap3A_1231], %swap3A_1234 {strides = array<i32>} : memref<32768xf32, #tpu.memory_space<vmem>>, vector<16xf32>,
      %mul3A_1235 = arith.constant 16 : i32
      %mul3A_1236 = arith.muli %scan3A_1163, %mul3A_1235 : i32
      %add3A_1237 = arith.constant 7 : i32
      %add3A_1238 = arith.addi %mul3A_1236, %add3A_1237 : i32
      %mul3A_1239 = arith.constant 16 : i32
      %mul3A_1240 = arith.muli %add3A_1238, %mul3A_1239 : i32
      %swap3A_1241 = arith.index_cast %mul3A_1240 : i32 to index
      %swap3A_1242 = tpu.vector_load %arg6[%swap3A_1241] {strides = array<i32>} : memref<32768xf32, #tpu.memory_space<vmem>>, vector<16xf32>,
      %swap3A_1243 = vector.shape_cast %swap3A_1242 : vector<16xf32> to vector<16xf32>
      %swap3A_1244 = vector.shape_cast %broadcast_in_dim3A_16 : vector<16xf32> to vector<16xf32>
      tpu.vector_store %arg6[%swap3A_1241], %swap3A_1244 {strides = array<i32>} : memref<32768xf32, #tpu.memory_space<vmem>>, vector<16xf32>,
      %mul3A_1245 = arith.constant 16 : i32
      %mul3A_1246 = arith.muli %scan3A_1163, %mul3A_1245 : i32
      %add3A_1247 = arith.constant 8 : i32
      %add3A_1248 = arith.addi %mul3A_1246, %add3A_1247 : i32
      %mul3A_1249 = arith.constant 16 : i32
      %mul3A_1250 = arith.muli %add3A_1248, %mul3A_1249 : i32
      %swap3A_1251 = arith.index_cast %mul3A_1250 : i32 to index
      %swap3A_1252 = tpu.vector_load %arg6[%swap3A_1251] {strides = array<i32>} : memref<32768xf32, #tpu.memory_space<vmem>>, vector<16xf32>,
      %swap3A_1253 = vector.shape_cast %swap3A_1252 : vector<16xf32> to vector<16xf32>
      %swap3A_1254 = vector.shape_cast %broadcast_in_dim3A_16 : vector<16xf32> to vector<16xf32>
      tpu.vector_store %arg6[%swap3A_1251], %swap3A_1254 {strides = array<i32>} : memref<32768xf32, #tpu.memory_space<vmem>>, vector<16xf32>,
      %mul3A_1255 = arith.constant 16 : i32
      %mul3A_1256 = arith.muli %scan3A_1163, %mul3A_1255 : i32
      %add3A_1257 = arith.constant 9 : i32
      %add3A_1258 = arith.addi %mul3A_1256, %add3A_1257 : i32
      %mul3A_1259 = arith.constant 16 : i32
      %mul3A_1260 = arith.muli %add3A_1258, %mul3A_1259 : i32
      %swap3A_1261 = arith.index_cast %mul3A_1260 : i32 to index
      %swap3A_1262 = tpu.vector_load %arg6[%swap3A_1261] {strides = array<i32>} : memref<32768xf32, #tpu.memory_space<vmem>>, vector<16xf32>,
      %swap3A_1263 = vector.shape_cast %swap3A_1262 : vector<16xf32> to vector<16xf32>
      %swap3A_1264 = vector.shape_cast %broadcast_in_dim3A_16 : vector<16xf32> to vector<16xf32>
      tpu.vector_store %arg6[%swap3A_1261], %swap3A_1264 {strides = array<i32>} : memref<32768xf32, #tpu.memory_space<vmem>>, vector<16xf32>,
      %mul3A_1265 = arith.constant 16 : i32
      %mul3A_1266 = arith.muli %scan3A_1163, %mul3A_1265 : i32
      %add3A_1267 = arith.constant 10 : i32
      %add3A_1268 = arith.addi %mul3A_1266, %add3A_1267 : i32
      %mul3A_1269 = arith.constant 16 : i32
      %mul3A_1270 = arith.muli %add3A_1268, %mul3A_1269 : i32
      %swap3A_1271 = arith.index_cast %mul3A_1270 : i32 to index
      %swap3A_1272 = tpu.vector_load %arg6[%swap3A_1271] {strides = array<i32>} : memref<32768xf32, #tpu.memory_space<vmem>>, vector<16xf32>,
      %swap3A_1273 = vector.shape_cast %swap3A_1272 : vector<16xf32> to vector<16xf32>
      %swap3A_1274 = vector.shape_cast %broadcast_in_dim3A_16 : vector<16xf32> to vector<16xf32>
      tpu.vector_store %arg6[%swap3A_1271], %swap3A_1274 {strides = array<i32>} : memref<32768xf32, #tpu.memory_space<vmem>>, vector<16xf32>,
      %mul3A_1275 = arith.constant 16 : i32
      %mul3A_1276 = arith.muli %scan3A_1163, %mul3A_1275 : i32
      %add3A_1277 = arith.constant 11 : i32
      %add3A_1278 = arith.addi %mul3A_1276, %add3A_1277 : i32
      %mul3A_1279 = arith.constant 16 : i32
      %mul3A_1280 = arith.muli %add3A_1278, %mul3A_1279 : i32
      %swap3A_1281 = arith.index_cast %mul3A_1280 : i32 to index
      %swap3A_1282 = tpu.vector_load %arg6[%swap3A_1281] {strides = array<i32>} : memref<32768xf32, #tpu.memory_space<vmem>>, vector<16xf32>,
      %swap3A_1283 = vector.shape_cast %swap3A_1282 : vector<16xf32> to vector<16xf32>
      %swap3A_1284 = vector.shape_cast %broadcast_in_dim3A_16 : vector<16xf32> to vector<16xf32>
      tpu.vector_store %arg6[%swap3A_1281], %swap3A_1284 {strides = array<i32>} : memref<32768xf32, #tpu.memory_space<vmem>>, vector<16xf32>,
      %mul3A_1285 = arith.constant 16 : i32
      %mul3A_1286 = arith.muli %scan3A_1163, %mul3A_1285 : i32
      %add3A_1287 = arith.constant 12 : i32
      %add3A_1288 = arith.addi %mul3A_1286, %add3A_1287 : i32
      %mul3A_1289 = arith.constant 16 : i32
      %mul3A_1290 = arith.muli %add3A_1288, %mul3A_1289 : i32
      %swap3A_1291 = arith.index_cast %mul3A_1290 : i32 to index
      %swap3A_1292 = tpu.vector_load %arg6[%swap3A_1291] {strides = array<i32>} : memref<32768xf32, #tpu.memory_space<vmem>>, vector<16xf32>,
      %swap3A_1293 = vector.shape_cast %swap3A_1292 : vector<16xf32> to vector<16xf32>
      %swap3A_1294 = vector.shape_cast %broadcast_in_dim3A_16 : vector<16xf32> to vector<16xf32>
      tpu.vector_store %arg6[%swap3A_1291], %swap3A_1294 {strides = array<i32>} : memref<32768xf32, #tpu.memory_space<vmem>>, vector<16xf32>,
      %mul3A_1295 = arith.constant 16 : i32
      %mul3A_1296 = arith.muli %scan3A_1163, %mul3A_1295 : i32
      %add3A_1297 = arith.constant 13 : i32
      %add3A_1298 = arith.addi %mul3A_1296, %add3A_1297 : i32
      %mul3A_1299 = arith.constant 16 : i32
      %mul3A_1300 = arith.muli %add3A_1298, %mul3A_1299 : i32
      %swap3A_1301 = arith.index_cast %mul3A_1300 : i32 to index
      %swap3A_1302 = tpu.vector_load %arg6[%swap3A_1301] {strides = array<i32>} : memref<32768xf32, #tpu.memory_space<vmem>>, vector<16xf32>,
      %swap3A_1303 = vector.shape_cast %swap3A_1302 : vector<16xf32> to vector<16xf32>
      %swap3A_1304 = vector.shape_cast %broadcast_in_dim3A_16 : vector<16xf32> to vector<16xf32>
      tpu.vector_store %arg6[%swap3A_1301], %swap3A_1304 {strides = array<i32>} : memref<32768xf32, #tpu.memory_space<vmem>>, vector<16xf32>,
      %mul3A_1305 = arith.constant 16 : i32
      %mul3A_1306 = arith.muli %scan3A_1163, %mul3A_1305 : i32
      %add3A_1307 = arith.constant 14 : i32
      %add3A_1308 = arith.addi %mul3A_1306, %add3A_1307 : i32
      %mul3A_1309 = arith.constant 16 : i32
      %mul3A_1310 = arith.muli %add3A_1308, %mul3A_1309 : i32
      %swap3A_1311 = arith.index_cast %mul3A_1310 : i32 to index
      %swap3A_1312 = tpu.vector_load %arg6[%swap3A_1311] {strides = array<i32>} : memref<32768xf32, #tpu.memory_space<vmem>>, vector<16xf32>,
      %swap3A_1313 = vector.shape_cast %swap3A_1312 : vector<16xf32> to vector<16xf32>
      %swap3A_1314 = vector.shape_cast %broadcast_in_dim3A_16 : vector<16xf32> to vector<16xf32>
      tpu.vector_store %arg6[%swap3A_1311], %swap3A_1314 {strides = array<i32>} : memref<32768xf32, #tpu.memory_space<vmem>>, vector<16xf32>,
      %mul3A_1315 = arith.constant 16 : i32
      %mul3A_1316 = arith.muli %scan3A_1163, %mul3A_1315 : i32
      %add3A_1317 = arith.constant 15 : i32
      %add3A_1318 = arith.addi %mul3A_1316, %add3A_1317 : i32
      %mul3A_1319 = arith.constant 16 : i32
      %mul3A_1320 = arith.muli %add3A_1318, %mul3A_1319 : i32
      %swap3A_1321 = arith.index_cast %mul3A_1320 : i32 to index
      %swap3A_1322 = tpu.vector_load %arg6[%swap3A_1321] {strides = array<i32>} : memref<32768xf32, #tpu.memory_space<vmem>>, vector<16xf32>,
      %swap3A_1323 = vector.shape_cast %swap3A_1322 : vector<16xf32> to vector<16xf32>
      %swap3A_1324 = vector.shape_cast %broadcast_in_dim3A_16 : vector<16xf32> to vector<16xf32>
      tpu.vector_store %arg6[%swap3A_1321], %swap3A_1324 {strides = array<i32>} : memref<32768xf32, #tpu.memory_space<vmem>>, vector<16xf32>,
      %scan3A_1325 = arith.constant 0 : i32
      scf.yield %scan3A_1325 : i32
    }
    %scan3A_22 = arith.constant 128 : i32
    %dma_wait3A = arith.constant 0 : i32
    %dma_wait3A_23 = tpu.memref_slice %arg2[%mul3A_2, %dma_wait3A] : memref<64x32768xf32, #tpu.memory_space<hbm>> -> memref<1x32768xf32, #tpu.memory_space<hbm>>
    %dma_wait3A_24 = tpu.memref_squeeze %dma_wait3A_23 : memref<1x32768xf32, #tpu.memory_space<hbm>> -> memref<32768xf32, #tpu.memory_space<hbm>>
    %dma_wait3A_25 = arith.constant 0 : i32
    %dma_wait3A_26 = tpu.memref_slice %arg2[%mul3A_2, %dma_wait3A_25] : memref<64x32768xf32, #tpu.memory_space<hbm>> -> memref<1x32768xf32, #tpu.memory_space<hbm>>
    %dma_wait3A_27 = tpu.memref_squeeze %dma_wait3A_26 : memref<1x32768xf32, #tpu.memory_space<hbm>> -> memref<32768xf32, #tpu.memory_space<hbm>>
    tpu.wait_dma2 semaphore(%arg7 : memref<!tpu.dma_semaphore, #tpu.memory_space<semaphore_mem>>) src(%dma_wait3A_27 : memref<32768xf32, #tpu.memory_space<hbm>>) dst(%arg4 : memref<32768xf32, #tpu.memory_space<vmem>>)
    %iota3A = tpu.iota {dimensions = array<i32: 0>} : vector<16xi32>
    %broadcast_in_dim3A_28 = arith.constant 0xFF800000 : f32
    %broadcast_in_dim3A_29 = vector.broadcast %broadcast_in_dim3A_28 : f32 to vector<16xf32>
    %broadcast_in_dim3A_30 = arith.constant 0xFF800000 : f32
    %broadcast_in_dim3A_31 = vector.broadcast %broadcast_in_dim3A_30 : f32 to vector<16xf32>
    %broadcast_in_dim3A_32 = arith.constant 0xFF800000 : f32
    %broadcast_in_dim3A_33 = vector.broadcast %broadcast_in_dim3A_32 : f32 to vector<16xf32>
    %broadcast_in_dim3A_34 = arith.constant 0xFF800000 : f32
    %broadcast_in_dim3A_35 = vector.broadcast %broadcast_in_dim3A_34 : f32 to vector<16xf32>
    %broadcast_in_dim3A_36 = arith.constant 0xFF800000 : f32
    %broadcast_in_dim3A_37 = vector.broadcast %broadcast_in_dim3A_36 : f32 to vector<16xf32>
    %broadcast_in_dim3A_38 = arith.constant 0xFF800000 : f32
    %broadcast_in_dim3A_39 = vector.broadcast %broadcast_in_dim3A_38 : f32 to vector<16xf32>
    %broadcast_in_dim3A_40 = arith.constant 0xFF800000 : f32
    %broadcast_in_dim3A_41 = vector.broadcast %broadcast_in_dim3A_40 : f32 to vector<16xf32>
    %broadcast_in_dim3A_42 = arith.constant 0xFF800000 : f32
    %broadcast_in_dim3A_43 = vector.broadcast %broadcast_in_dim3A_42 : f32 to vector<16xf32>
    %broadcast_in_dim3A_44 = arith.constant 0xFF800000 : f32
    %broadcast_in_dim3A_45 = vector.broadcast %broadcast_in_dim3A_44 : f32 to vector<16xf32>
    %broadcast_in_dim3A_46 = arith.constant 0xFF800000 : f32
    %broadcast_in_dim3A_47 = vector.broadcast %broadcast_in_dim3A_46 : f32 to vector<16xf32>
    %broadcast_in_dim3A_48 = arith.constant 0xFF800000 : f32
    %broadcast_in_dim3A_49 = vector.broadcast %broadcast_in_dim3A_48 : f32 to vector<16xf32>
    %broadcast_in_dim3A_50 = arith.constant 0xFF800000 : f32
    %broadcast_in_dim3A_51 = vector.broadcast %broadcast_in_dim3A_50 : f32 to vector<16xf32>
    %broadcast_in_dim3A_52 = arith.constant 0xFF800000 : f32
    %broadcast_in_dim3A_53 = vector.broadcast %broadcast_in_dim3A_52 : f32 to vector<16xf32>
    %broadcast_in_dim3A_54 = arith.constant 0xFF800000 : f32
    %broadcast_in_dim3A_55 = vector.broadcast %broadcast_in_dim3A_54 : f32 to vector<16xf32>
    %broadcast_in_dim3A_56 = arith.constant 0xFF800000 : f32
    %broadcast_in_dim3A_57 = vector.broadcast %broadcast_in_dim3A_56 : f32 to vector<16xf32>
    %broadcast_in_dim3A_58 = arith.constant 0xFF800000 : f32
    %broadcast_in_dim3A_59 = vector.broadcast %broadcast_in_dim3A_58 : f32 to vector<16xf32>
    %broadcast_in_dim3A_60 = arith.constant 0 : i32
    %broadcast_in_dim3A_61 = vector.broadcast %broadcast_in_dim3A_60 : i32 to vector<16xi32>
    %broadcast_in_dim3A_62 = arith.constant 0 : i32
    %broadcast_in_dim3A_63 = vector.broadcast %broadcast_in_dim3A_62 : i32 to vector<16xi32>
    %broadcast_in_dim3A_64 = arith.constant 0 : i32
    %broadcast_in_dim3A_65 = vector.broadcast %broadcast_in_dim3A_64 : i32 to vector<16xi32>
    %broadcast_in_dim3A_66 = arith.constant 0 : i32
    %broadcast_in_dim3A_67 = vector.broadcast %broadcast_in_dim3A_66 : i32 to vector<16xi32>
    %broadcast_in_dim3A_68 = arith.constant 0 : i32
    %broadcast_in_dim3A_69 = vector.broadcast %broadcast_in_dim3A_68 : i32 to vector<16xi32>
    %broadcast_in_dim3A_70 = arith.constant 0 : i32
    %broadcast_in_dim3A_71 = vector.broadcast %broadcast_in_dim3A_70 : i32 to vector<16xi32>
    %broadcast_in_dim3A_72 = arith.constant 0 : i32
    %broadcast_in_dim3A_73 = vector.broadcast %broadcast_in_dim3A_72 : i32 to vector<16xi32>
    %broadcast_in_dim3A_74 = arith.constant 0 : i32
    %broadcast_in_dim3A_75 = vector.broadcast %broadcast_in_dim3A_74 : i32 to vector<16xi32>
    %broadcast_in_dim3A_76 = arith.constant 0 : i32
    %broadcast_in_dim3A_77 = vector.broadcast %broadcast_in_dim3A_76 : i32 to vector<16xi32>
    %broadcast_in_dim3A_78 = arith.constant 0 : i32
    %broadcast_in_dim3A_79 = vector.broadcast %broadcast_in_dim3A_78 : i32 to vector<16xi32>
    %broadcast_in_dim3A_80 = arith.constant 0 : i32
    %broadcast_in_dim3A_81 = vector.broadcast %broadcast_in_dim3A_80 : i32 to vector<16xi32>
    %broadcast_in_dim3A_82 = arith.constant 0 : i32
    %broadcast_in_dim3A_83 = vector.broadcast %broadcast_in_dim3A_82 : i32 to vector<16xi32>
    %broadcast_in_dim3A_84 = arith.constant 0 : i32
    %broadcast_in_dim3A_85 = vector.broadcast %broadcast_in_dim3A_84 : i32 to vector<16xi32>
    %broadcast_in_dim3A_86 = arith.constant 0 : i32
    %broadcast_in_dim3A_87 = vector.broadcast %broadcast_in_dim3A_86 : i32 to vector<16xi32>
    %broadcast_in_dim3A_88 = arith.constant 0 : i32
    %broadcast_in_dim3A_89 = vector.broadcast %broadcast_in_dim3A_88 : i32 to vector<16xi32>
    %broadcast_in_dim3A_90 = arith.constant 0 : i32
    %broadcast_in_dim3A_91 = vector.broadcast %broadcast_in_dim3A_90 : i32 to vector<16xi32>
    %broadcast_in_dim3A_92 = arith.constant 0 : i32
    %broadcast_in_dim3A_93 = vector.broadcast %broadcast_in_dim3A_92 : i32 to vector<16xi32>
    %scan3A_94 = arith.constant 0 : i32
    %scan3A_95 = arith.constant 128 : i32
    %scan3A_96 = arith.addi %scan3A_94, %scan3A_95 : i32
    %scan3A_97 = arith.constant 1 : i32
    %scan3A_98:33 = scf.for %scan3A_1163 = %scan3A_94 to %scan3A_96 step %scan3A_97 iter_args(%scan3A_1164 = %broadcast_in_dim3A_29, %scan3A_1165 = %broadcast_in_dim3A_31, %scan3A_1166 = %broadcast_in_dim3A_33, %scan3A_1167 = %broadcast_in_dim3A_35, %scan3A_1168 = %broadcast_in_dim3A_37, %scan3A_1169 = %broadcast_in_dim3A_39, %scan3A_1170 = %broadcast_in_dim3A_41, %scan3A_1171 = %broadcast_in_dim3A_43, %scan3A_1172 = %broadcast_in_dim3A_45, %scan3A_1173 = %broadcast_in_dim3A_47, %scan3A_1174 = %broadcast_in_dim3A_49, %scan3A_1175 = %broadcast_in_dim3A_51, %scan3A_1176 = %broadcast_in_dim3A_53, %scan3A_1177 = %broadcast_in_dim3A_55, %scan3A_1178 = %broadcast_in_dim3A_57, %scan3A_1179 = %broadcast_in_dim3A_59, %scan3A_1180 = %broadcast_in_dim3A_61, %scan3A_1181 = %broadcast_in_dim3A_63, %scan3A_1182 = %broadcast_in_dim3A_65, %scan3A_1183 = %broadcast_in_dim3A_67, %scan3A_1184 = %broadcast_in_dim3A_69, %scan3A_1185 = %broadcast_in_dim3A_71, %scan3A_1186 = %broadcast_in_dim3A_73, %scan3A_1187 = %broadcast_in_dim3A_75, %scan3A_1188 = %broadcast_in_dim3A_77, %scan3A_1189 = %broadcast_in_dim3A_79, %scan3A_1190 = %broadcast_in_dim3A_81, %scan3A_1191 = %broadcast_in_dim3A_83, %scan3A_1192 = %broadcast_in_dim3A_85, %scan3A_1193 = %broadcast_in_dim3A_87, %scan3A_1194 = %broadcast_in_dim3A_89, %scan3A_1195 = %broadcast_in_dim3A_91, %scan3A_1196 = %broadcast_in_dim3A_93) -> (vector<16xf32>, vector<16xf32>, vector<16xf32>, vector<16xf32>, vector<16xf32>, vector<16xf32>, vector<16xf32>, vector<16xf32>, vector<16xf32>, vector<16xf32>, vector<16xf32>, vector<16xf32>, vector<16xf32>, vector<16xf32>, vector<16xf32>, vector<16xf32>, vector<16xi32>, vector<16xi32>, vector<16xi32>, vector<16xi32>, vector<16xi32>, vector<16xi32>, vector<16xi32>, vector<16xi32>, vector<16xi32>, vector<16xi32>, vector<16xi32>, vector<16xi32>, vector<16xi32>, vector<16xi32>, vector<16xi32>, vector<16xi32>, vector<16xi32>)  : i32 {
      %mul3A_1197 = arith.constant 256 : i32
      %mul3A_1198 = arith.muli %scan3A_1163, %mul3A_1197 : i32
      %add3A_1199 = arith.constant 0 : i32
      %add3A_1200 = arith.addi %mul3A_1198, %add3A_1199 : i32
      %get3A = arith.index_cast %add3A_1200 : i32 to index
      %get3A_1201 = tpu.vector_load %arg4[%get3A] {strides = array<i32>} : memref<32768xf32, #tpu.memory_space<vmem>>, vector<16xf32>,
      %get3A_1202 = vector.shape_cast %get3A_1201 : vector<16xf32> to vector<16xf32>
      %gt3A_1203 = arith.cmpf ogt, %get3A_1202, %scan3A_1164 : vector<16xf32>
      %select_n3A_1204 = arith.select %gt3A_1203, %get3A_1202, %scan3A_1164 : vector<16xi1>, vector<16xf32>
      %select_n3A_1205 = arith.select %gt3A_1203, %scan3A_1196, %scan3A_1180 : vector<16xi1>, vector<16xi32>
      %add3A_1206 = arith.constant 16 : i32
      %add3A_1207 = arith.addi %mul3A_1198, %add3A_1206 : i32
      %get3A_1208 = arith.index_cast %add3A_1207 : i32 to index
      %get3A_1209 = tpu.vector_load %arg4[%get3A_1208] {strides = array<i32>} : memref<32768xf32, #tpu.memory_space<vmem>>, vector<16xf32>,
      %get3A_1210 = vector.shape_cast %get3A_1209 : vector<16xf32> to vector<16xf32>
      %gt3A_1211 = arith.cmpf ogt, %get3A_1210, %scan3A_1165 : vector<16xf32>
      %select_n3A_1212 = arith.select %gt3A_1211, %get3A_1210, %scan3A_1165 : vector<16xi1>, vector<16xf32>
      %select_n3A_1213 = arith.select %gt3A_1211, %scan3A_1196, %scan3A_1181 : vector<16xi1>, vector<16xi32>
      %add3A_1214 = arith.constant 32 : i32
      %add3A_1215 = arith.addi %mul3A_1198, %add3A_1214 : i32
      %get3A_1216 = arith.index_cast %add3A_1215 : i32 to index
      %get3A_1217 = tpu.vector_load %arg4[%get3A_1216] {strides = array<i32>} : memref<32768xf32, #tpu.memory_space<vmem>>, vector<16xf32>,
      %get3A_1218 = vector.shape_cast %get3A_1217 : vector<16xf32> to vector<16xf32>
      %gt3A_1219 = arith.cmpf ogt, %get3A_1218, %scan3A_1166 : vector<16xf32>
      %select_n3A_1220 = arith.select %gt3A_1219, %get3A_1218, %scan3A_1166 : vector<16xi1>, vector<16xf32>
      %select_n3A_1221 = arith.select %gt3A_1219, %scan3A_1196, %scan3A_1182 : vector<16xi1>, vector<16xi32>
      %add3A_1222 = arith.constant 48 : i32
      %add3A_1223 = arith.addi %mul3A_1198, %add3A_1222 : i32
      %get3A_1224 = arith.index_cast %add3A_1223 : i32 to index
      %get3A_1225 = tpu.vector_load %arg4[%get3A_1224] {strides = array<i32>} : memref<32768xf32, #tpu.memory_space<vmem>>, vector<16xf32>,
      %get3A_1226 = vector.shape_cast %get3A_1225 : vector<16xf32> to vector<16xf32>
      %gt3A_1227 = arith.cmpf ogt, %get3A_1226, %scan3A_1167 : vector<16xf32>
      %select_n3A_1228 = arith.select %gt3A_1227, %get3A_1226, %scan3A_1167 : vector<16xi1>, vector<16xf32>
      %select_n3A_1229 = arith.select %gt3A_1227, %scan3A_1196, %scan3A_1183 : vector<16xi1>, vector<16xi32>
      %add3A_1230 = arith.constant 64 : i32
      %add3A_1231 = arith.addi %mul3A_1198, %add3A_1230 : i32
      %get3A_1232 = arith.index_cast %add3A_1231 : i32 to index
      %get3A_1233 = tpu.vector_load %arg4[%get3A_1232] {strides = array<i32>} : memref<32768xf32, #tpu.memory_space<vmem>>, vector<16xf32>,
      %get3A_1234 = vector.shape_cast %get3A_1233 : vector<16xf32> to vector<16xf32>
      %gt3A_1235 = arith.cmpf ogt, %get3A_1234, %scan3A_1168 : vector<16xf32>
      %select_n3A_1236 = arith.select %gt3A_1235, %get3A_1234, %scan3A_1168 : vector<16xi1>, vector<16xf32>
      %select_n3A_1237 = arith.select %gt3A_1235, %scan3A_1196, %scan3A_1184 : vector<16xi1>, vector<16xi32>
      %add3A_1238 = arith.constant 80 : i32
      %add3A_1239 = arith.addi %mul3A_1198, %add3A_1238 : i32
      %get3A_1240 = arith.index_cast %add3A_1239 : i32 to index
      %get3A_1241 = tpu.vector_load %arg4[%get3A_1240] {strides = array<i32>} : memref<32768xf32, #tpu.memory_space<vmem>>, vector<16xf32>,
      %get3A_1242 = vector.shape_cast %get3A_1241 : vector<16xf32> to vector<16xf32>
      %gt3A_1243 = arith.cmpf ogt, %get3A_1242, %scan3A_1169 : vector<16xf32>
      %select_n3A_1244 = arith.select %gt3A_1243, %get3A_1242, %scan3A_1169 : vector<16xi1>, vector<16xf32>
      %select_n3A_1245 = arith.select %gt3A_1243, %scan3A_1196, %scan3A_1185 : vector<16xi1>, vector<16xi32>
      %add3A_1246 = arith.constant 96 : i32
      %add3A_1247 = arith.addi %mul3A_1198, %add3A_1246 : i32
      %get3A_1248 = arith.index_cast %add3A_1247 : i32 to index
      %get3A_1249 = tpu.vector_load %arg4[%get3A_1248] {strides = array<i32>} : memref<32768xf32, #tpu.memory_space<vmem>>, vector<16xf32>,
      %get3A_1250 = vector.shape_cast %get3A_1249 : vector<16xf32> to vector<16xf32>
      %gt3A_1251 = arith.cmpf ogt, %get3A_1250, %scan3A_1170 : vector<16xf32>
      %select_n3A_1252 = arith.select %gt3A_1251, %get3A_1250, %scan3A_1170 : vector<16xi1>, vector<16xf32>
      %select_n3A_1253 = arith.select %gt3A_1251, %scan3A_1196, %scan3A_1186 : vector<16xi1>, vector<16xi32>
      %add3A_1254 = arith.constant 112 : i32
      %add3A_1255 = arith.addi %mul3A_1198, %add3A_1254 : i32
      %get3A_1256 = arith.index_cast %add3A_1255 : i32 to index
      %get3A_1257 = tpu.vector_load %arg4[%get3A_1256] {strides = array<i32>} : memref<32768xf32, #tpu.memory_space<vmem>>, vector<16xf32>,
      %get3A_1258 = vector.shape_cast %get3A_1257 : vector<16xf32> to vector<16xf32>
      %gt3A_1259 = arith.cmpf ogt, %get3A_1258, %scan3A_1171 : vector<16xf32>
      %select_n3A_1260 = arith.select %gt3A_1259, %get3A_1258, %scan3A_1171 : vector<16xi1>, vector<16xf32>
      %select_n3A_1261 = arith.select %gt3A_1259, %scan3A_1196, %scan3A_1187 : vector<16xi1>, vector<16xi32>
      %add3A_1262 = arith.constant 128 : i32
      %add3A_1263 = arith.addi %mul3A_1198, %add3A_1262 : i32
      %get3A_1264 = arith.index_cast %add3A_1263 : i32 to index
      %get3A_1265 = tpu.vector_load %arg4[%get3A_1264] {strides = array<i32>} : memref<32768xf32, #tpu.memory_space<vmem>>, vector<16xf32>,
      %get3A_1266 = vector.shape_cast %get3A_1265 : vector<16xf32> to vector<16xf32>
      %gt3A_1267 = arith.cmpf ogt, %get3A_1266, %scan3A_1172 : vector<16xf32>
      %select_n3A_1268 = arith.select %gt3A_1267, %get3A_1266, %scan3A_1172 : vector<16xi1>, vector<16xf32>
      %select_n3A_1269 = arith.select %gt3A_1267, %scan3A_1196, %scan3A_1188 : vector<16xi1>, vector<16xi32>
      %add3A_1270 = arith.constant 144 : i32
      %add3A_1271 = arith.addi %mul3A_1198, %add3A_1270 : i32
      %get3A_1272 = arith.index_cast %add3A_1271 : i32 to index
      %get3A_1273 = tpu.vector_load %arg4[%get3A_1272] {strides = array<i32>} : memref<32768xf32, #tpu.memory_space<vmem>>, vector<16xf32>,
      %get3A_1274 = vector.shape_cast %get3A_1273 : vector<16xf32> to vector<16xf32>
      %gt3A_1275 = arith.cmpf ogt, %get3A_1274, %scan3A_1173 : vector<16xf32>
      %select_n3A_1276 = arith.select %gt3A_1275, %get3A_1274, %scan3A_1173 : vector<16xi1>, vector<16xf32>
      %select_n3A_1277 = arith.select %gt3A_1275, %scan3A_1196, %scan3A_1189 : vector<16xi1>, vector<16xi32>
      %add3A_1278 = arith.constant 160 : i32
      %add3A_1279 = arith.addi %mul3A_1198, %add3A_1278 : i32
      %get3A_1280 = arith.index_cast %add3A_1279 : i32 to index
      %get3A_1281 = tpu.vector_load %arg4[%get3A_1280] {strides = array<i32>} : memref<32768xf32, #tpu.memory_space<vmem>>, vector<16xf32>,
      %get3A_1282 = vector.shape_cast %get3A_1281 : vector<16xf32> to vector<16xf32>
      %gt3A_1283 = arith.cmpf ogt, %get3A_1282, %scan3A_1174 : vector<16xf32>
      %select_n3A_1284 = arith.select %gt3A_1283, %get3A_1282, %scan3A_1174 : vector<16xi1>, vector<16xf32>
      %select_n3A_1285 = arith.select %gt3A_1283, %scan3A_1196, %scan3A_1190 : vector<16xi1>, vector<16xi32>
      %add3A_1286 = arith.constant 176 : i32
      %add3A_1287 = arith.addi %mul3A_1198, %add3A_1286 : i32
      %get3A_1288 = arith.index_cast %add3A_1287 : i32 to index
      %get3A_1289 = tpu.vector_load %arg4[%get3A_1288] {strides = array<i32>} : memref<32768xf32, #tpu.memory_space<vmem>>, vector<16xf32>,
      %get3A_1290 = vector.shape_cast %get3A_1289 : vector<16xf32> to vector<16xf32>
      %gt3A_1291 = arith.cmpf ogt, %get3A_1290, %scan3A_1175 : vector<16xf32>
      %select_n3A_1292 = arith.select %gt3A_1291, %get3A_1290, %scan3A_1175 : vector<16xi1>, vector<16xf32>
      %select_n3A_1293 = arith.select %gt3A_1291, %scan3A_1196, %scan3A_1191 : vector<16xi1>, vector<16xi32>
      %add3A_1294 = arith.constant 192 : i32
      %add3A_1295 = arith.addi %mul3A_1198, %add3A_1294 : i32
      %get3A_1296 = arith.index_cast %add3A_1295 : i32 to index
      %get3A_1297 = tpu.vector_load %arg4[%get3A_1296] {strides = array<i32>} : memref<32768xf32, #tpu.memory_space<vmem>>, vector<16xf32>,
      %get3A_1298 = vector.shape_cast %get3A_1297 : vector<16xf32> to vector<16xf32>
      %gt3A_1299 = arith.cmpf ogt, %get3A_1298, %scan3A_1176 : vector<16xf32>
      %select_n3A_1300 = arith.select %gt3A_1299, %get3A_1298, %scan3A_1176 : vector<16xi1>, vector<16xf32>
      %select_n3A_1301 = arith.select %gt3A_1299, %scan3A_1196, %scan3A_1192 : vector<16xi1>, vector<16xi32>
      %add3A_1302 = arith.constant 208 : i32
      %add3A_1303 = arith.addi %mul3A_1198, %add3A_1302 : i32
      %get3A_1304 = arith.index_cast %add3A_1303 : i32 to index
      %get3A_1305 = tpu.vector_load %arg4[%get3A_1304] {strides = array<i32>} : memref<32768xf32, #tpu.memory_space<vmem>>, vector<16xf32>,
      %get3A_1306 = vector.shape_cast %get3A_1305 : vector<16xf32> to vector<16xf32>
      %gt3A_1307 = arith.cmpf ogt, %get3A_1306, %scan3A_1177 : vector<16xf32>
      %select_n3A_1308 = arith.select %gt3A_1307, %get3A_1306, %scan3A_1177 : vector<16xi1>, vector<16xf32>
      %select_n3A_1309 = arith.select %gt3A_1307, %scan3A_1196, %scan3A_1193 : vector<16xi1>, vector<16xi32>
      %add3A_1310 = arith.constant 224 : i32
      %add3A_1311 = arith.addi %mul3A_1198, %add3A_1310 : i32
      %get3A_1312 = arith.index_cast %add3A_1311 : i32 to index
      %get3A_1313 = tpu.vector_load %arg4[%get3A_1312] {strides = array<i32>} : memref<32768xf32, #tpu.memory_space<vmem>>, vector<16xf32>,
      %get3A_1314 = vector.shape_cast %get3A_1313 : vector<16xf32> to vector<16xf32>
      %gt3A_1315 = arith.cmpf ogt, %get3A_1314, %scan3A_1178 : vector<16xf32>
      %select_n3A_1316 = arith.select %gt3A_1315, %get3A_1314, %scan3A_1178 : vector<16xi1>, vector<16xf32>
      %select_n3A_1317 = arith.select %gt3A_1315, %scan3A_1196, %scan3A_1194 : vector<16xi1>, vector<16xi32>
      %add3A_1318 = arith.constant 240 : i32
      %add3A_1319 = arith.addi %mul3A_1198, %add3A_1318 : i32
      %get3A_1320 = arith.index_cast %add3A_1319 : i32 to index
      %get3A_1321 = tpu.vector_load %arg4[%get3A_1320] {strides = array<i32>} : memref<32768xf32, #tpu.memory_space<vmem>>, vector<16xf32>,
      %get3A_1322 = vector.shape_cast %get3A_1321 : vector<16xf32> to vector<16xf32>
      %gt3A_1323 = arith.cmpf ogt, %get3A_1322, %scan3A_1179 : vector<16xf32>
      %select_n3A_1324 = arith.select %gt3A_1323, %get3A_1322, %scan3A_1179 : vector<16xi1>, vector<16xf32>
      %select_n3A_1325 = arith.select %gt3A_1323, %scan3A_1196, %scan3A_1195 : vector<16xi1>, vector<16xi32>
      %add3A_1326 = arith.constant 1 : i32
      %add3A_1327 = vector.broadcast %add3A_1326 : i32 to vector<16xi32>
      %add3A_1328 = arith.addi %scan3A_1196, %add3A_1327 : vector<16xi32>
      scf.yield %select_n3A_1204, %select_n3A_1212, %select_n3A_1220, %select_n3A_1228, %select_n3A_1236, %select_n3A_1244, %select_n3A_1252, %select_n3A_1260, %select_n3A_1268, %select_n3A_1276, %select_n3A_1284, %select_n3A_1292, %select_n3A_1300, %select_n3A_1308, %select_n3A_1316, %select_n3A_1324, %select_n3A_1205, %select_n3A_1213, %select_n3A_1221, %select_n3A_1229, %select_n3A_1237, %select_n3A_1245, %select_n3A_1253, %select_n3A_1261, %select_n3A_1269, %select_n3A_1277, %select_n3A_1285, %select_n3A_1293, %select_n3A_1301, %select_n3A_1309, %select_n3A_1317, %select_n3A_1325, %add3A_1328 : vector<16xf32>, vector<16xf32>, vector<16xf32>, vector<16xf32>, vector<16xf32>, vector<16xf32>, vector<16xf32>, vector<16xf32>, vector<16xf32>, vector<16xf32>, vector<16xf32>, vector<16xf32>, vector<16xf32>, vector<16xf32>, vector<16xf32>, vector<16xf32>, vector<16xi32>, vector<16xi32>, vector<16xi32>, vector<16xi32>, vector<16xi32>, vector<16xi32>, vector<16xi32>, vector<16xi32>, vector<16xi32>, vector<16xi32>, vector<16xi32>, vector<16xi32>, vector<16xi32>, vector<16xi32>, vector<16xi32>, vector<16xi32>, vector<16xi32>
    }
    %scan3A_99 = arith.constant 128 : i32
    %mul3A_100 = arith.constant 16 : i32
    %mul3A_101 = vector.broadcast %mul3A_100 : i32 to vector<16xi32>
    %mul3A_102 = arith.muli %scan3A_98#16, %mul3A_101 : vector<16xi32>
    %add3A_103 = arith.constant 0 : i32
    %add3A_104 = vector.broadcast %add3A_103 : i32 to vector<16xi32>
    %add3A_105 = arith.addi %mul3A_102, %add3A_104 : vector<16xi32>
    %mul3A_106 = arith.constant 16 : i32
    %mul3A_107 = vector.broadcast %mul3A_106 : i32 to vector<16xi32>
    %mul3A_108 = arith.muli %add3A_105, %mul3A_107 : vector<16xi32>
    %add3A_109 = arith.addi %mul3A_108, %iota3A : vector<16xi32>
    %mul3A_110 = arith.constant 16 : i32
    %mul3A_111 = vector.broadcast %mul3A_110 : i32 to vector<16xi32>
    %mul3A_112 = arith.muli %scan3A_98#17, %mul3A_111 : vector<16xi32>
    %add3A_113 = arith.constant 1 : i32
    %add3A_114 = vector.broadcast %add3A_113 : i32 to vector<16xi32>
    %add3A_115 = arith.addi %mul3A_112, %add3A_114 : vector<16xi32>
    %mul3A_116 = arith.constant 16 : i32
    %mul3A_117 = vector.broadcast %mul3A_116 : i32 to vector<16xi32>
    %mul3A_118 = arith.muli %add3A_115, %mul3A_117 : vector<16xi32>
    %add3A_119 = arith.addi %mul3A_118, %iota3A : vector<16xi32>
    %mul3A_120 = arith.constant 16 : i32
    %mul3A_121 = vector.broadcast %mul3A_120 : i32 to vector<16xi32>
    %mul3A_122 = arith.muli %scan3A_98#18, %mul3A_121 : vector<16xi32>
    %add3A_123 = arith.constant 2 : i32
    %add3A_124 = vector.broadcast %add3A_123 : i32 to vector<16xi32>
    %add3A_125 = arith.addi %mul3A_122, %add3A_124 : vector<16xi32>
    %mul3A_126 = arith.constant 16 : i32
    %mul3A_127 = vector.broadcast %mul3A_126 : i32 to vector<16xi32>
    %mul3A_128 = arith.muli %add3A_125, %mul3A_127 : vector<16xi32>
    %add3A_129 = arith.addi %mul3A_128, %iota3A : vector<16xi32>
    %mul3A_130 = arith.constant 16 : i32
    %mul3A_131 = vector.broadcast %mul3A_130 : i32 to vector<16xi32>
    %mul3A_132 = arith.muli %scan3A_98#19, %mul3A_131 : vector<16xi32>
    %add3A_133 = arith.constant 3 : i32
    %add3A_134 = vector.broadcast %add3A_133 : i32 to vector<16xi32>
    %add3A_135 = arith.addi %mul3A_132, %add3A_134 : vector<16xi32>
    %mul3A_136 = arith.constant 16 : i32
    %mul3A_137 = vector.broadcast %mul3A_136 : i32 to vector<16xi32>
    %mul3A_138 = arith.muli %add3A_135, %mul3A_137 : vector<16xi32>
    %add3A_139 = arith.addi %mul3A_138, %iota3A : vector<16xi32>
    %mul3A_140 = arith.constant 16 : i32
    %mul3A_141 = vector.broadcast %mul3A_140 : i32 to vector<16xi32>
    %mul3A_142 = arith.muli %scan3A_98#20, %mul3A_141 : vector<16xi32>
    %add3A_143 = arith.constant 4 : i32
    %add3A_144 = vector.broadcast %add3A_143 : i32 to vector<16xi32>
    %add3A_145 = arith.addi %mul3A_142, %add3A_144 : vector<16xi32>
    %mul3A_146 = arith.constant 16 : i32
    %mul3A_147 = vector.broadcast %mul3A_146 : i32 to vector<16xi32>
    %mul3A_148 = arith.muli %add3A_145, %mul3A_147 : vector<16xi32>
    %add3A_149 = arith.addi %mul3A_148, %iota3A : vector<16xi32>
    %mul3A_150 = arith.constant 16 : i32
    %mul3A_151 = vector.broadcast %mul3A_150 : i32 to vector<16xi32>
    %mul3A_152 = arith.muli %scan3A_98#21, %mul3A_151 : vector<16xi32>
    %add3A_153 = arith.constant 5 : i32
    %add3A_154 = vector.broadcast %add3A_153 : i32 to vector<16xi32>
    %add3A_155 = arith.addi %mul3A_152, %add3A_154 : vector<16xi32>
    %mul3A_156 = arith.constant 16 : i32
    %mul3A_157 = vector.broadcast %mul3A_156 : i32 to vector<16xi32>
    %mul3A_158 = arith.muli %add3A_155, %mul3A_157 : vector<16xi32>
    %add3A_159 = arith.addi %mul3A_158, %iota3A : vector<16xi32>
    %mul3A_160 = arith.constant 16 : i32
    %mul3A_161 = vector.broadcast %mul3A_160 : i32 to vector<16xi32>
    %mul3A_162 = arith.muli %scan3A_98#22, %mul3A_161 : vector<16xi32>
    %add3A_163 = arith.constant 6 : i32
    %add3A_164 = vector.broadcast %add3A_163 : i32 to vector<16xi32>
    %add3A_165 = arith.addi %mul3A_162, %add3A_164 : vector<16xi32>
    %mul3A_166 = arith.constant 16 : i32
    %mul3A_167 = vector.broadcast %mul3A_166 : i32 to vector<16xi32>
    %mul3A_168 = arith.muli %add3A_165, %mul3A_167 : vector<16xi32>
    %add3A_169 = arith.addi %mul3A_168, %iota3A : vector<16xi32>
    %mul3A_170 = arith.constant 16 : i32
    %mul3A_171 = vector.broadcast %mul3A_170 : i32 to vector<16xi32>
    %mul3A_172 = arith.muli %scan3A_98#23, %mul3A_171 : vector<16xi32>
    %add3A_173 = arith.constant 7 : i32
    %add3A_174 = vector.broadcast %add3A_173 : i32 to vector<16xi32>
    %add3A_175 = arith.addi %mul3A_172, %add3A_174 : vector<16xi32>
    %mul3A_176 = arith.constant 16 : i32
    %mul3A_177 = vector.broadcast %mul3A_176 : i32 to vector<16xi32>
    %mul3A_178 = arith.muli %add3A_175, %mul3A_177 : vector<16xi32>
    %add3A_179 = arith.addi %mul3A_178, %iota3A : vector<16xi32>
    %mul3A_180 = arith.constant 16 : i32
    %mul3A_181 = vector.broadcast %mul3A_180 : i32 to vector<16xi32>
    %mul3A_182 = arith.muli %scan3A_98#24, %mul3A_181 : vector<16xi32>
    %add3A_183 = arith.constant 8 : i32
    %add3A_184 = vector.broadcast %add3A_183 : i32 to vector<16xi32>
    %add3A_185 = arith.addi %mul3A_182, %add3A_184 : vector<16xi32>
    %mul3A_186 = arith.constant 16 : i32
    %mul3A_187 = vector.broadcast %mul3A_186 : i32 to vector<16xi32>
    %mul3A_188 = arith.muli %add3A_185, %mul3A_187 : vector<16xi32>
    %add3A_189 = arith.addi %mul3A_188, %iota3A : vector<16xi32>
    %mul3A_190 = arith.constant 16 : i32
    %mul3A_191 = vector.broadcast %mul3A_190 : i32 to vector<16xi32>
    %mul3A_192 = arith.muli %scan3A_98#25, %mul3A_191 : vector<16xi32>
    %add3A_193 = arith.constant 9 : i32
    %add3A_194 = vector.broadcast %add3A_193 : i32 to vector<16xi32>
    %add3A_195 = arith.addi %mul3A_192, %add3A_194 : vector<16xi32>
    %mul3A_196 = arith.constant 16 : i32
    %mul3A_197 = vector.broadcast %mul3A_196 : i32 to vector<16xi32>
    %mul3A_198 = arith.muli %add3A_195, %mul3A_197 : vector<16xi32>
    %add3A_199 = arith.addi %mul3A_198, %iota3A : vector<16xi32>
    %mul3A_200 = arith.constant 16 : i32
    %mul3A_201 = vector.broadcast %mul3A_200 : i32 to vector<16xi32>
    %mul3A_202 = arith.muli %scan3A_98#26, %mul3A_201 : vector<16xi32>
    %add3A_203 = arith.constant 10 : i32
    %add3A_204 = vector.broadcast %add3A_203 : i32 to vector<16xi32>
    %add3A_205 = arith.addi %mul3A_202, %add3A_204 : vector<16xi32>
    %mul3A_206 = arith.constant 16 : i32
    %mul3A_207 = vector.broadcast %mul3A_206 : i32 to vector<16xi32>
    %mul3A_208 = arith.muli %add3A_205, %mul3A_207 : vector<16xi32>
    %add3A_209 = arith.addi %mul3A_208, %iota3A : vector<16xi32>
    %mul3A_210 = arith.constant 16 : i32
    %mul3A_211 = vector.broadcast %mul3A_210 : i32 to vector<16xi32>
    %mul3A_212 = arith.muli %scan3A_98#27, %mul3A_211 : vector<16xi32>
    %add3A_213 = arith.constant 11 : i32
    %add3A_214 = vector.broadcast %add3A_213 : i32 to vector<16xi32>
    %add3A_215 = arith.addi %mul3A_212, %add3A_214 : vector<16xi32>
    %mul3A_216 = arith.constant 16 : i32
    %mul3A_217 = vector.broadcast %mul3A_216 : i32 to vector<16xi32>
    %mul3A_218 = arith.muli %add3A_215, %mul3A_217 : vector<16xi32>
    %add3A_219 = arith.addi %mul3A_218, %iota3A : vector<16xi32>
    %mul3A_220 = arith.constant 16 : i32
    %mul3A_221 = vector.broadcast %mul3A_220 : i32 to vector<16xi32>
    %mul3A_222 = arith.muli %scan3A_98#28, %mul3A_221 : vector<16xi32>
    %add3A_223 = arith.constant 12 : i32
    %add3A_224 = vector.broadcast %add3A_223 : i32 to vector<16xi32>
    %add3A_225 = arith.addi %mul3A_222, %add3A_224 : vector<16xi32>
    %mul3A_226 = arith.constant 16 : i32
    %mul3A_227 = vector.broadcast %mul3A_226 : i32 to vector<16xi32>
    %mul3A_228 = arith.muli %add3A_225, %mul3A_227 : vector<16xi32>
    %add3A_229 = arith.addi %mul3A_228, %iota3A : vector<16xi32>
    %mul3A_230 = arith.constant 16 : i32
    %mul3A_231 = vector.broadcast %mul3A_230 : i32 to vector<16xi32>
    %mul3A_232 = arith.muli %scan3A_98#29, %mul3A_231 : vector<16xi32>
    %add3A_233 = arith.constant 13 : i32
    %add3A_234 = vector.broadcast %add3A_233 : i32 to vector<16xi32>
    %add3A_235 = arith.addi %mul3A_232, %add3A_234 : vector<16xi32>
    %mul3A_236 = arith.constant 16 : i32
    %mul3A_237 = vector.broadcast %mul3A_236 : i32 to vector<16xi32>
    %mul3A_238 = arith.muli %add3A_235, %mul3A_237 : vector<16xi32>
    %add3A_239 = arith.addi %mul3A_238, %iota3A : vector<16xi32>
    %mul3A_240 = arith.constant 16 : i32
    %mul3A_241 = vector.broadcast %mul3A_240 : i32 to vector<16xi32>
    %mul3A_242 = arith.muli %scan3A_98#30, %mul3A_241 : vector<16xi32>
    %add3A_243 = arith.constant 14 : i32
    %add3A_244 = vector.broadcast %add3A_243 : i32 to vector<16xi32>
    %add3A_245 = arith.addi %mul3A_242, %add3A_244 : vector<16xi32>
    %mul3A_246 = arith.constant 16 : i32
    %mul3A_247 = vector.broadcast %mul3A_246 : i32 to vector<16xi32>
    %mul3A_248 = arith.muli %add3A_245, %mul3A_247 : vector<16xi32>
    %add3A_249 = arith.addi %mul3A_248, %iota3A : vector<16xi32>
    %mul3A_250 = arith.constant 16 : i32
    %mul3A_251 = vector.broadcast %mul3A_250 : i32 to vector<16xi32>
    %mul3A_252 = arith.muli %scan3A_98#31, %mul3A_251 : vector<16xi32>
    %add3A_253 = arith.constant 15 : i32
    %add3A_254 = vector.broadcast %add3A_253 : i32 to vector<16xi32>
    %add3A_255 = arith.addi %mul3A_252, %add3A_254 : vector<16xi32>
    %mul3A_256 = arith.constant 16 : i32
    %mul3A_257 = vector.broadcast %mul3A_256 : i32 to vector<16xi32>
    %mul3A_258 = arith.muli %add3A_255, %mul3A_257 : vector<16xi32>
    %add3A_259 = arith.addi %mul3A_258, %iota3A : vector<16xi32>
    %gt3A = arith.cmpf ogt, %scan3A_98#8, %scan3A_98#0 : vector<16xf32>
    %eq3A = arith.cmpf oeq, %scan3A_98#8, %scan3A_98#0 : vector<16xf32>
    %lt3A = arith.cmpi slt, %add3A_189, %add3A_109 : vector<16xi32>
    %and3A = arith.andi %eq3A, %lt3A : vector<16xi1>
    %or3A = arith.ori %gt3A, %and3A : vector<16xi1>
    %select_n3A = arith.select %or3A, %scan3A_98#8, %scan3A_98#0 : vector<16xi1>, vector<16xf32>
    %select_n3A_260 = arith.select %or3A, %add3A_189, %add3A_109 : vector<16xi1>, vector<16xi32>
    %gt3A_261 = arith.cmpf ogt, %scan3A_98#9, %scan3A_98#1 : vector<16xf32>
    %eq3A_262 = arith.cmpf oeq, %scan3A_98#9, %scan3A_98#1 : vector<16xf32>
    %lt3A_263 = arith.cmpi slt, %add3A_199, %add3A_119 : vector<16xi32>
    %and3A_264 = arith.andi %eq3A_262, %lt3A_263 : vector<16xi1>
    %or3A_265 = arith.ori %gt3A_261, %and3A_264 : vector<16xi1>
    %select_n3A_266 = arith.select %or3A_265, %scan3A_98#9, %scan3A_98#1 : vector<16xi1>, vector<16xf32>
    %select_n3A_267 = arith.select %or3A_265, %add3A_199, %add3A_119 : vector<16xi1>, vector<16xi32>
    %gt3A_268 = arith.cmpf ogt, %scan3A_98#10, %scan3A_98#2 : vector<16xf32>
    %eq3A_269 = arith.cmpf oeq, %scan3A_98#10, %scan3A_98#2 : vector<16xf32>
    %lt3A_270 = arith.cmpi slt, %add3A_209, %add3A_129 : vector<16xi32>
    %and3A_271 = arith.andi %eq3A_269, %lt3A_270 : vector<16xi1>
    %or3A_272 = arith.ori %gt3A_268, %and3A_271 : vector<16xi1>
    %select_n3A_273 = arith.select %or3A_272, %scan3A_98#10, %scan3A_98#2 : vector<16xi1>, vector<16xf32>
    %select_n3A_274 = arith.select %or3A_272, %add3A_209, %add3A_129 : vector<16xi1>, vector<16xi32>
    %gt3A_275 = arith.cmpf ogt, %scan3A_98#11, %scan3A_98#3 : vector<16xf32>
    %eq3A_276 = arith.cmpf oeq, %scan3A_98#11, %scan3A_98#3 : vector<16xf32>
    %lt3A_277 = arith.cmpi slt, %add3A_219, %add3A_139 : vector<16xi32>
    %and3A_278 = arith.andi %eq3A_276, %lt3A_277 : vector<16xi1>
    %or3A_279 = arith.ori %gt3A_275, %and3A_278 : vector<16xi1>
    %select_n3A_280 = arith.select %or3A_279, %scan3A_98#11, %scan3A_98#3 : vector<16xi1>, vector<16xf32>
    %select_n3A_281 = arith.select %or3A_279, %add3A_219, %add3A_139 : vector<16xi1>, vector<16xi32>
    %gt3A_282 = arith.cmpf ogt, %scan3A_98#12, %scan3A_98#4 : vector<16xf32>
    %eq3A_283 = arith.cmpf oeq, %scan3A_98#12, %scan3A_98#4 : vector<16xf32>
    %lt3A_284 = arith.cmpi slt, %add3A_229, %add3A_149 : vector<16xi32>
    %and3A_285 = arith.andi %eq3A_283, %lt3A_284 : vector<16xi1>
    %or3A_286 = arith.ori %gt3A_282, %and3A_285 : vector<16xi1>
    %select_n3A_287 = arith.select %or3A_286, %scan3A_98#12, %scan3A_98#4 : vector<16xi1>, vector<16xf32>
    %select_n3A_288 = arith.select %or3A_286, %add3A_229, %add3A_149 : vector<16xi1>, vector<16xi32>
    %gt3A_289 = arith.cmpf ogt, %scan3A_98#13, %scan3A_98#5 : vector<16xf32>
    %eq3A_290 = arith.cmpf oeq, %scan3A_98#13, %scan3A_98#5 : vector<16xf32>
    %lt3A_291 = arith.cmpi slt, %add3A_239, %add3A_159 : vector<16xi32>
    %and3A_292 = arith.andi %eq3A_290, %lt3A_291 : vector<16xi1>
    %or3A_293 = arith.ori %gt3A_289, %and3A_292 : vector<16xi1>
    %select_n3A_294 = arith.select %or3A_293, %scan3A_98#13, %scan3A_98#5 : vector<16xi1>, vector<16xf32>
    %select_n3A_295 = arith.select %or3A_293, %add3A_239, %add3A_159 : vector<16xi1>, vector<16xi32>
    %gt3A_296 = arith.cmpf ogt, %scan3A_98#14, %scan3A_98#6 : vector<16xf32>
    %eq3A_297 = arith.cmpf oeq, %scan3A_98#14, %scan3A_98#6 : vector<16xf32>
    %lt3A_298 = arith.cmpi slt, %add3A_249, %add3A_169 : vector<16xi32>
    %and3A_299 = arith.andi %eq3A_297, %lt3A_298 : vector<16xi1>
    %or3A_300 = arith.ori %gt3A_296, %and3A_299 : vector<16xi1>
    %select_n3A_301 = arith.select %or3A_300, %scan3A_98#14, %scan3A_98#6 : vector<16xi1>, vector<16xf32>
    %select_n3A_302 = arith.select %or3A_300, %add3A_249, %add3A_169 : vector<16xi1>, vector<16xi32>
    %gt3A_303 = arith.cmpf ogt, %scan3A_98#15, %scan3A_98#7 : vector<16xf32>
    %eq3A_304 = arith.cmpf oeq, %scan3A_98#15, %scan3A_98#7 : vector<16xf32>
    %lt3A_305 = arith.cmpi slt, %add3A_259, %add3A_179 : vector<16xi32>
    %and3A_306 = arith.andi %eq3A_304, %lt3A_305 : vector<16xi1>
    %or3A_307 = arith.ori %gt3A_303, %and3A_306 : vector<16xi1>
    %select_n3A_308 = arith.select %or3A_307, %scan3A_98#15, %scan3A_98#7 : vector<16xi1>, vector<16xf32>
    %select_n3A_309 = arith.select %or3A_307, %add3A_259, %add3A_179 : vector<16xi1>, vector<16xi32>
    %gt3A_310 = arith.cmpf ogt, %select_n3A_287, %select_n3A : vector<16xf32>
    %eq3A_311 = arith.cmpf oeq, %select_n3A_287, %select_n3A : vector<16xf32>
    %lt3A_312 = arith.cmpi slt, %select_n3A_288, %select_n3A_260 : vector<16xi32>
    %and3A_313 = arith.andi %eq3A_311, %lt3A_312 : vector<16xi1>
    %or3A_314 = arith.ori %gt3A_310, %and3A_313 : vector<16xi1>
    %select_n3A_315 = arith.select %or3A_314, %select_n3A_287, %select_n3A : vector<16xi1>, vector<16xf32>
    %select_n3A_316 = arith.select %or3A_314, %select_n3A_288, %select_n3A_260 : vector<16xi1>, vector<16xi32>
    %gt3A_317 = arith.cmpf ogt, %select_n3A_294, %select_n3A_266 : vector<16xf32>
    %eq3A_318 = arith.cmpf oeq, %select_n3A_294, %select_n3A_266 : vector<16xf32>
    %lt3A_319 = arith.cmpi slt, %select_n3A_295, %select_n3A_267 : vector<16xi32>
    %and3A_320 = arith.andi %eq3A_318, %lt3A_319 : vector<16xi1>
    %or3A_321 = arith.ori %gt3A_317, %and3A_320 : vector<16xi1>
    %select_n3A_322 = arith.select %or3A_321, %select_n3A_294, %select_n3A_266 : vector<16xi1>, vector<16xf32>
    %select_n3A_323 = arith.select %or3A_321, %select_n3A_295, %select_n3A_267 : vector<16xi1>, vector<16xi32>
    %gt3A_324 = arith.cmpf ogt, %select_n3A_301, %select_n3A_273 : vector<16xf32>
    %eq3A_325 = arith.cmpf oeq, %select_n3A_301, %select_n3A_273 : vector<16xf32>
    %lt3A_326 = arith.cmpi slt, %select_n3A_302, %select_n3A_274 : vector<16xi32>
    %and3A_327 = arith.andi %eq3A_325, %lt3A_326 : vector<16xi1>
    %or3A_328 = arith.ori %gt3A_324, %and3A_327 : vector<16xi1>
    %select_n3A_329 = arith.select %or3A_328, %select_n3A_301, %select_n3A_273 : vector<16xi1>, vector<16xf32>
    %select_n3A_330 = arith.select %or3A_328, %select_n3A_302, %select_n3A_274 : vector<16xi1>, vector<16xi32>
    %gt3A_331 = arith.cmpf ogt, %select_n3A_308, %select_n3A_280 : vector<16xf32>
    %eq3A_332 = arith.cmpf oeq, %select_n3A_308, %select_n3A_280 : vector<16xf32>
    %lt3A_333 = arith.cmpi slt, %select_n3A_309, %select_n3A_281 : vector<16xi32>
    %and3A_334 = arith.andi %eq3A_332, %lt3A_333 : vector<16xi1>
    %or3A_335 = arith.ori %gt3A_331, %and3A_334 : vector<16xi1>
    %select_n3A_336 = arith.select %or3A_335, %select_n3A_308, %select_n3A_280 : vector<16xi1>, vector<16xf32>
    %select_n3A_337 = arith.select %or3A_335, %select_n3A_309, %select_n3A_281 : vector<16xi1>, vector<16xi32>
    %gt3A_338 = arith.cmpf ogt, %select_n3A_329, %select_n3A_315 : vector<16xf32>
    %eq3A_339 = arith.cmpf oeq, %select_n3A_329, %select_n3A_315 : vector<16xf32>
    %lt3A_340 = arith.cmpi slt, %select_n3A_330, %select_n3A_316 : vector<16xi32>
    %and3A_341 = arith.andi %eq3A_339, %lt3A_340 : vector<16xi1>
    %or3A_342 = arith.ori %gt3A_338, %and3A_341 : vector<16xi1>
    %select_n3A_343 = arith.select %or3A_342, %select_n3A_329, %select_n3A_315 : vector<16xi1>, vector<16xf32>
    %select_n3A_344 = arith.select %or3A_342, %select_n3A_330, %select_n3A_316 : vector<16xi1>, vector<16xi32>
    %gt3A_345 = arith.cmpf ogt, %select_n3A_336, %select_n3A_322 : vector<16xf32>
    %eq3A_346 = arith.cmpf oeq, %select_n3A_336, %select_n3A_322 : vector<16xf32>
    %lt3A_347 = arith.cmpi slt, %select_n3A_337, %select_n3A_323 : vector<16xi32>
    %and3A_348 = arith.andi %eq3A_346, %lt3A_347 : vector<16xi1>
    %or3A_349 = arith.ori %gt3A_345, %and3A_348 : vector<16xi1>
    %select_n3A_350 = arith.select %or3A_349, %select_n3A_336, %select_n3A_322 : vector<16xi1>, vector<16xf32>
    %select_n3A_351 = arith.select %or3A_349, %select_n3A_337, %select_n3A_323 : vector<16xi1>, vector<16xi32>
    %gt3A_352 = arith.cmpf ogt, %select_n3A_350, %select_n3A_343 : vector<16xf32>
    %eq3A_353 = arith.cmpf oeq, %select_n3A_350, %select_n3A_343 : vector<16xf32>
    %lt3A_354 = arith.cmpi slt, %select_n3A_351, %select_n3A_344 : vector<16xi32>
    %and3A_355 = arith.andi %eq3A_353, %lt3A_354 : vector<16xi1>
    %or3A_356 = arith.ori %gt3A_352, %and3A_355 : vector<16xi1>
    %select_n3A_357 = arith.select %or3A_356, %select_n3A_350, %select_n3A_343 : vector<16xi1>, vector<16xf32>
    %select_n3A_358 = arith.select %or3A_356, %select_n3A_351, %select_n3A_344 : vector<16xi1>, vector<16xi32>
    %slice3A = vector.extract_strided_slice %select_n3A_357 {offsets = [0], sizes = [1], strides = [1]} : vector<16xf32> to vector<1xf32>
    %squeeze3A = vector.extract %slice3A[0] : f32 from vector<1xf32>
    %slice3A_359 = vector.extract_strided_slice %select_n3A_358 {offsets = [0], sizes = [1], strides = [1]} : vector<16xi32> to vector<1xi32>
    %squeeze3A_360 = vector.extract %slice3A_359[0] : i32 from vector<1xi32>
    %slice3A_361 = vector.extract_strided_slice %select_n3A_357 {offsets = [1], sizes = [1], strides = [1]} : vector<16xf32> to vector<1xf32>
    %squeeze3A_362 = vector.extract %slice3A_361[0] : f32 from vector<1xf32>
    %slice3A_363 = vector.extract_strided_slice %select_n3A_358 {offsets = [1], sizes = [1], strides = [1]} : vector<16xi32> to vector<1xi32>
    %squeeze3A_364 = vector.extract %slice3A_363[0] : i32 from vector<1xi32>
    %gt3A_365 = arith.cmpf ogt, %squeeze3A_362, %squeeze3A : f32
    %eq3A_366 = arith.cmpf oeq, %squeeze3A_362, %squeeze3A : f32
    %lt3A_367 = arith.cmpi slt, %squeeze3A_364, %squeeze3A_360 : i32
    %and3A_368 = arith.andi %eq3A_366, %lt3A_367 : i1
    %or3A_369 = arith.ori %gt3A_365, %and3A_368 : i1
    %select_n3A_370 = arith.select %or3A_369, %squeeze3A_362, %squeeze3A : f32
    %select_n3A_371 = arith.select %or3A_369, %squeeze3A_364, %squeeze3A_360 : i32
    %slice3A_372 = vector.extract_strided_slice %select_n3A_357 {offsets = [2], sizes = [1], strides = [1]} : vector<16xf32> to vector<1xf32>
    %squeeze3A_373 = vector.extract %slice3A_372[0] : f32 from vector<1xf32>
    %slice3A_374 = vector.extract_strided_slice %select_n3A_358 {offsets = [2], sizes = [1], strides = [1]} : vector<16xi32> to vector<1xi32>
    %squeeze3A_375 = vector.extract %slice3A_374[0] : i32 from vector<1xi32>
    %gt3A_376 = arith.cmpf ogt, %squeeze3A_373, %select_n3A_370 : f32
    %eq3A_377 = arith.cmpf oeq, %squeeze3A_373, %select_n3A_370 : f32
    %lt3A_378 = arith.cmpi slt, %squeeze3A_375, %select_n3A_371 : i32
    %and3A_379 = arith.andi %eq3A_377, %lt3A_378 : i1
    %or3A_380 = arith.ori %gt3A_376, %and3A_379 : i1
    %select_n3A_381 = arith.select %or3A_380, %squeeze3A_373, %select_n3A_370 : f32
    %select_n3A_382 = arith.select %or3A_380, %squeeze3A_375, %select_n3A_371 : i32
    %slice3A_383 = vector.extract_strided_slice %select_n3A_357 {offsets = [3], sizes = [1], strides = [1]} : vector<16xf32> to vector<1xf32>
    %squeeze3A_384 = vector.extract %slice3A_383[0] : f32 from vector<1xf32>
    %slice3A_385 = vector.extract_strided_slice %select_n3A_358 {offsets = [3], sizes = [1], strides = [1]} : vector<16xi32> to vector<1xi32>
    %squeeze3A_386 = vector.extract %slice3A_385[0] : i32 from vector<1xi32>
    %gt3A_387 = arith.cmpf ogt, %squeeze3A_384, %select_n3A_381 : f32
    %eq3A_388 = arith.cmpf oeq, %squeeze3A_384, %select_n3A_381 : f32
    %lt3A_389 = arith.cmpi slt, %squeeze3A_386, %select_n3A_382 : i32
    %and3A_390 = arith.andi %eq3A_388, %lt3A_389 : i1
    %or3A_391 = arith.ori %gt3A_387, %and3A_390 : i1
    %select_n3A_392 = arith.select %or3A_391, %squeeze3A_384, %select_n3A_381 : f32
    %select_n3A_393 = arith.select %or3A_391, %squeeze3A_386, %select_n3A_382 : i32
    %slice3A_394 = vector.extract_strided_slice %select_n3A_357 {offsets = [4], sizes = [1], strides = [1]} : vector<16xf32> to vector<1xf32>
    %squeeze3A_395 = vector.extract %slice3A_394[0] : f32 from vector<1xf32>
    %slice3A_396 = vector.extract_strided_slice %select_n3A_358 {offsets = [4], sizes = [1], strides = [1]} : vector<16xi32> to vector<1xi32>
    %squeeze3A_397 = vector.extract %slice3A_396[0] : i32 from vector<1xi32>
    %gt3A_398 = arith.cmpf ogt, %squeeze3A_395, %select_n3A_392 : f32
    %eq3A_399 = arith.cmpf oeq, %squeeze3A_395, %select_n3A_392 : f32
    %lt3A_400 = arith.cmpi slt, %squeeze3A_397, %select_n3A_393 : i32
    %and3A_401 = arith.andi %eq3A_399, %lt3A_400 : i1
    %or3A_402 = arith.ori %gt3A_398, %and3A_401 : i1
    %select_n3A_403 = arith.select %or3A_402, %squeeze3A_395, %select_n3A_392 : f32
    %select_n3A_404 = arith.select %or3A_402, %squeeze3A_397, %select_n3A_393 : i32
    %slice3A_405 = vector.extract_strided_slice %select_n3A_357 {offsets = [5], sizes = [1], strides = [1]} : vector<16xf32> to vector<1xf32>
    %squeeze3A_406 = vector.extract %slice3A_405[0] : f32 from vector<1xf32>
    %slice3A_407 = vector.extract_strided_slice %select_n3A_358 {offsets = [5], sizes = [1], strides = [1]} : vector<16xi32> to vector<1xi32>
    %squeeze3A_408 = vector.extract %slice3A_407[0] : i32 from vector<1xi32>
    %gt3A_409 = arith.cmpf ogt, %squeeze3A_406, %select_n3A_403 : f32
    %eq3A_410 = arith.cmpf oeq, %squeeze3A_406, %select_n3A_403 : f32
    %lt3A_411 = arith.cmpi slt, %squeeze3A_408, %select_n3A_404 : i32
    %and3A_412 = arith.andi %eq3A_410, %lt3A_411 : i1
    %or3A_413 = arith.ori %gt3A_409, %and3A_412 : i1
    %select_n3A_414 = arith.select %or3A_413, %squeeze3A_406, %select_n3A_403 : f32
    %select_n3A_415 = arith.select %or3A_413, %squeeze3A_408, %select_n3A_404 : i32
    %slice3A_416 = vector.extract_strided_slice %select_n3A_357 {offsets = [6], sizes = [1], strides = [1]} : vector<16xf32> to vector<1xf32>
    %squeeze3A_417 = vector.extract %slice3A_416[0] : f32 from vector<1xf32>
    %slice3A_418 = vector.extract_strided_slice %select_n3A_358 {offsets = [6], sizes = [1], strides = [1]} : vector<16xi32> to vector<1xi32>
    %squeeze3A_419 = vector.extract %slice3A_418[0] : i32 from vector<1xi32>
    %gt3A_420 = arith.cmpf ogt, %squeeze3A_417, %select_n3A_414 : f32
    %eq3A_421 = arith.cmpf oeq, %squeeze3A_417, %select_n3A_414 : f32
    %lt3A_422 = arith.cmpi slt, %squeeze3A_419, %select_n3A_415 : i32
    %and3A_423 = arith.andi %eq3A_421, %lt3A_422 : i1
    %or3A_424 = arith.ori %gt3A_420, %and3A_423 : i1
    %select_n3A_425 = arith.select %or3A_424, %squeeze3A_417, %select_n3A_414 : f32
    %select_n3A_426 = arith.select %or3A_424, %squeeze3A_419, %select_n3A_415 : i32
    %slice3A_427 = vector.extract_strided_slice %select_n3A_357 {offsets = [7], sizes = [1], strides = [1]} : vector<16xf32> to vector<1xf32>
    %squeeze3A_428 = vector.extract %slice3A_427[0] : f32 from vector<1xf32>
    %slice3A_429 = vector.extract_strided_slice %select_n3A_358 {offsets = [7], sizes = [1], strides = [1]} : vector<16xi32> to vector<1xi32>
    %squeeze3A_430 = vector.extract %slice3A_429[0] : i32 from vector<1xi32>
    %gt3A_431 = arith.cmpf ogt, %squeeze3A_428, %select_n3A_425 : f32
    %eq3A_432 = arith.cmpf oeq, %squeeze3A_428, %select_n3A_425 : f32
    %lt3A_433 = arith.cmpi slt, %squeeze3A_430, %select_n3A_426 : i32
    %and3A_434 = arith.andi %eq3A_432, %lt3A_433 : i1
    %or3A_435 = arith.ori %gt3A_431, %and3A_434 : i1
    %select_n3A_436 = arith.select %or3A_435, %squeeze3A_428, %select_n3A_425 : f32
    %select_n3A_437 = arith.select %or3A_435, %squeeze3A_430, %select_n3A_426 : i32
    %slice3A_438 = vector.extract_strided_slice %select_n3A_357 {offsets = [8], sizes = [1], strides = [1]} : vector<16xf32> to vector<1xf32>
    %squeeze3A_439 = vector.extract %slice3A_438[0] : f32 from vector<1xf32>
    %slice3A_440 = vector.extract_strided_slice %select_n3A_358 {offsets = [8], sizes = [1], strides = [1]} : vector<16xi32> to vector<1xi32>
    %squeeze3A_441 = vector.extract %slice3A_440[0] : i32 from vector<1xi32>
    %gt3A_442 = arith.cmpf ogt, %squeeze3A_439, %select_n3A_436 : f32
    %eq3A_443 = arith.cmpf oeq, %squeeze3A_439, %select_n3A_436 : f32
    %lt3A_444 = arith.cmpi slt, %squeeze3A_441, %select_n3A_437 : i32
    %and3A_445 = arith.andi %eq3A_443, %lt3A_444 : i1
    %or3A_446 = arith.ori %gt3A_442, %and3A_445 : i1
    %select_n3A_447 = arith.select %or3A_446, %squeeze3A_439, %select_n3A_436 : f32
    %select_n3A_448 = arith.select %or3A_446, %squeeze3A_441, %select_n3A_437 : i32
    %slice3A_449 = vector.extract_strided_slice %select_n3A_357 {offsets = [9], sizes = [1], strides = [1]} : vector<16xf32> to vector<1xf32>
    %squeeze3A_450 = vector.extract %slice3A_449[0] : f32 from vector<1xf32>
    %slice3A_451 = vector.extract_strided_slice %select_n3A_358 {offsets = [9], sizes = [1], strides = [1]} : vector<16xi32> to vector<1xi32>
    %squeeze3A_452 = vector.extract %slice3A_451[0] : i32 from vector<1xi32>
    %gt3A_453 = arith.cmpf ogt, %squeeze3A_450, %select_n3A_447 : f32
    %eq3A_454 = arith.cmpf oeq, %squeeze3A_450, %select_n3A_447 : f32
    %lt3A_455 = arith.cmpi slt, %squeeze3A_452, %select_n3A_448 : i32
    %and3A_456 = arith.andi %eq3A_454, %lt3A_455 : i1
    %or3A_457 = arith.ori %gt3A_453, %and3A_456 : i1
    %select_n3A_458 = arith.select %or3A_457, %squeeze3A_450, %select_n3A_447 : f32
    %select_n3A_459 = arith.select %or3A_457, %squeeze3A_452, %select_n3A_448 : i32
    %slice3A_460 = vector.extract_strided_slice %select_n3A_357 {offsets = [10], sizes = [1], strides = [1]} : vector<16xf32> to vector<1xf32>
    %squeeze3A_461 = vector.extract %slice3A_460[0] : f32 from vector<1xf32>
    %slice3A_462 = vector.extract_strided_slice %select_n3A_358 {offsets = [10], sizes = [1], strides = [1]} : vector<16xi32> to vector<1xi32>
    %squeeze3A_463 = vector.extract %slice3A_462[0] : i32 from vector<1xi32>
    %gt3A_464 = arith.cmpf ogt, %squeeze3A_461, %select_n3A_458 : f32
    %eq3A_465 = arith.cmpf oeq, %squeeze3A_461, %select_n3A_458 : f32
    %lt3A_466 = arith.cmpi slt, %squeeze3A_463, %select_n3A_459 : i32
    %and3A_467 = arith.andi %eq3A_465, %lt3A_466 : i1
    %or3A_468 = arith.ori %gt3A_464, %and3A_467 : i1
    %select_n3A_469 = arith.select %or3A_468, %squeeze3A_461, %select_n3A_458 : f32
    %select_n3A_470 = arith.select %or3A_468, %squeeze3A_463, %select_n3A_459 : i32
    %slice3A_471 = vector.extract_strided_slice %select_n3A_357 {offsets = [11], sizes = [1], strides = [1]} : vector<16xf32> to vector<1xf32>
    %squeeze3A_472 = vector.extract %slice3A_471[0] : f32 from vector<1xf32>
    %slice3A_473 = vector.extract_strided_slice %select_n3A_358 {offsets = [11], sizes = [1], strides = [1]} : vector<16xi32> to vector<1xi32>
    %squeeze3A_474 = vector.extract %slice3A_473[0] : i32 from vector<1xi32>
    %gt3A_475 = arith.cmpf ogt, %squeeze3A_472, %select_n3A_469 : f32
    %eq3A_476 = arith.cmpf oeq, %squeeze3A_472, %select_n3A_469 : f32
    %lt3A_477 = arith.cmpi slt, %squeeze3A_474, %select_n3A_470 : i32
    %and3A_478 = arith.andi %eq3A_476, %lt3A_477 : i1
    %or3A_479 = arith.ori %gt3A_475, %and3A_478 : i1
    %select_n3A_480 = arith.select %or3A_479, %squeeze3A_472, %select_n3A_469 : f32
    %select_n3A_481 = arith.select %or3A_479, %squeeze3A_474, %select_n3A_470 : i32
    %slice3A_482 = vector.extract_strided_slice %select_n3A_357 {offsets = [12], sizes = [1], strides = [1]} : vector<16xf32> to vector<1xf32>
    %squeeze3A_483 = vector.extract %slice3A_482[0] : f32 from vector<1xf32>
    %slice3A_484 = vector.extract_strided_slice %select_n3A_358 {offsets = [12], sizes = [1], strides = [1]} : vector<16xi32> to vector<1xi32>
    %squeeze3A_485 = vector.extract %slice3A_484[0] : i32 from vector<1xi32>
    %gt3A_486 = arith.cmpf ogt, %squeeze3A_483, %select_n3A_480 : f32
    %eq3A_487 = arith.cmpf oeq, %squeeze3A_483, %select_n3A_480 : f32
    %lt3A_488 = arith.cmpi slt, %squeeze3A_485, %select_n3A_481 : i32
    %and3A_489 = arith.andi %eq3A_487, %lt3A_488 : i1
    %or3A_490 = arith.ori %gt3A_486, %and3A_489 : i1
    %select_n3A_491 = arith.select %or3A_490, %squeeze3A_483, %select_n3A_480 : f32
    %select_n3A_492 = arith.select %or3A_490, %squeeze3A_485, %select_n3A_481 : i32
    %slice3A_493 = vector.extract_strided_slice %select_n3A_357 {offsets = [13], sizes = [1], strides = [1]} : vector<16xf32> to vector<1xf32>
    %squeeze3A_494 = vector.extract %slice3A_493[0] : f32 from vector<1xf32>
    %slice3A_495 = vector.extract_strided_slice %select_n3A_358 {offsets = [13], sizes = [1], strides = [1]} : vector<16xi32> to vector<1xi32>
    %squeeze3A_496 = vector.extract %slice3A_495[0] : i32 from vector<1xi32>
    %gt3A_497 = arith.cmpf ogt, %squeeze3A_494, %select_n3A_491 : f32
    %eq3A_498 = arith.cmpf oeq, %squeeze3A_494, %select_n3A_491 : f32
    %lt3A_499 = arith.cmpi slt, %squeeze3A_496, %select_n3A_492 : i32
    %and3A_500 = arith.andi %eq3A_498, %lt3A_499 : i1
    %or3A_501 = arith.ori %gt3A_497, %and3A_500 : i1
    %select_n3A_502 = arith.select %or3A_501, %squeeze3A_494, %select_n3A_491 : f32
    %select_n3A_503 = arith.select %or3A_501, %squeeze3A_496, %select_n3A_492 : i32
    %slice3A_504 = vector.extract_strided_slice %select_n3A_357 {offsets = [14], sizes = [1], strides = [1]} : vector<16xf32> to vector<1xf32>
    %squeeze3A_505 = vector.extract %slice3A_504[0] : f32 from vector<1xf32>
    %slice3A_506 = vector.extract_strided_slice %select_n3A_358 {offsets = [14], sizes = [1], strides = [1]} : vector<16xi32> to vector<1xi32>
    %squeeze3A_507 = vector.extract %slice3A_506[0] : i32 from vector<1xi32>
    %gt3A_508 = arith.cmpf ogt, %squeeze3A_505, %select_n3A_502 : f32
    %eq3A_509 = arith.cmpf oeq, %squeeze3A_505, %select_n3A_502 : f32
    %lt3A_510 = arith.cmpi slt, %squeeze3A_507, %select_n3A_503 : i32
    %and3A_511 = arith.andi %eq3A_509, %lt3A_510 : i1
    %or3A_512 = arith.ori %gt3A_508, %and3A_511 : i1
    %select_n3A_513 = arith.select %or3A_512, %squeeze3A_505, %select_n3A_502 : f32
    %select_n3A_514 = arith.select %or3A_512, %squeeze3A_507, %select_n3A_503 : i32
    %slice3A_515 = vector.extract_strided_slice %select_n3A_357 {offsets = [15], sizes = [1], strides = [1]} : vector<16xf32> to vector<1xf32>
    %squeeze3A_516 = vector.extract %slice3A_515[0] : f32 from vector<1xf32>
    %slice3A_517 = vector.extract_strided_slice %select_n3A_358 {offsets = [15], sizes = [1], strides = [1]} : vector<16xi32> to vector<1xi32>
    %squeeze3A_518 = vector.extract %slice3A_517[0] : i32 from vector<1xi32>
    %gt3A_519 = arith.cmpf ogt, %squeeze3A_516, %select_n3A_513 : f32
    %eq3A_520 = arith.cmpf oeq, %squeeze3A_516, %select_n3A_513 : f32
    %lt3A_521 = arith.cmpi slt, %squeeze3A_518, %select_n3A_514 : i32
    %and3A_522 = arith.andi %eq3A_520, %lt3A_521 : i1
    %or3A_523 = arith.ori %gt3A_519, %and3A_522 : i1
    %select_n3A_524 = arith.select %or3A_523, %squeeze3A_516, %select_n3A_513 : f32
    %select_n3A_525 = arith.select %or3A_523, %squeeze3A_518, %select_n3A_514 : i32
    %iota3A_526 = tpu.iota {dimensions = array<i32: 0>} : vector<16xi32>
    %jit3A = arith.constant 16 : i32
    %div3A = arith.divsi %select_n3A_525, %jit3A : i32
    %sign3A = arith.constant 0 : i32
    %sign3A_527 = arith.cmpi sgt, %select_n3A_525, %sign3A : i32
    %sign3A_528 = arith.extui %sign3A_527 : i1 to i32
    %sign3A_529 = arith.constant 0 : i32
    %sign3A_530 = arith.cmpi slt, %select_n3A_525, %sign3A_529 : i32
    %sign3A_531 = arith.extui %sign3A_530 : i1 to i32
    %sign3A_532 = arith.subi %sign3A_528, %sign3A_531 : i32
    %sign3A_533 = arith.constant 0 : i32
    %sign3A_534 = arith.cmpi sgt, %jit3A, %sign3A_533 : i32
    %sign3A_535 = arith.extui %sign3A_534 : i1 to i32
    %sign3A_536 = arith.constant 0 : i32
    %sign3A_537 = arith.cmpi slt, %jit3A, %sign3A_536 : i32
    %sign3A_538 = arith.extui %sign3A_537 : i1 to i32
    %sign3A_539 = arith.subi %sign3A_535, %sign3A_538 : i32
    %ne3A = arith.cmpi ne, %sign3A_532, %sign3A_539 : i32
    %rem3A = arith.remsi %select_n3A_525, %jit3A : i32
    %ne3A_540 = arith.constant 0 : i32
    %ne3A_541 = arith.cmpi ne, %rem3A, %ne3A_540 : i32
    %and3A_542 = arith.andi %ne3A, %ne3A_541 : i1
    %sub3A = arith.constant 1 : i32
    %sub3A_543 = arith.subi %div3A, %sub3A : i32
    %select_n3A_544 = arith.select %and3A_542, %sub3A_543, %div3A : i32
    %mul3A_545 = arith.constant 16 : i32
    %mul3A_546 = arith.muli %select_n3A_544, %mul3A_545 : i32
    %sub3A_547 = arith.subi %select_n3A_525, %mul3A_546 : i32
    %eq3A_548 = vector.broadcast %sub3A_547 : i32 to vector<16xi32>
    %eq3A_549 = arith.cmpi eq, %iota3A_526, %eq3A_548 : vector<16xi32>
    %jit3A_550 = arith.constant 1.000000e+00 : f32
    %jit3A_551 = arith.constant 0.000000e+00 : f32
    %broadcast_in_dim3A_552 = vector.broadcast %jit3A_550 : f32 to vector<16xf32>
    %broadcast_in_dim3A_553 = vector.broadcast %jit3A_551 : f32 to vector<16xf32>
    %select_n3A_554 = arith.select %eq3A_549, %broadcast_in_dim3A_552, %broadcast_in_dim3A_553 : vector<16xi1>, vector<16xf32>
    %swap3A = arith.index_cast %mul3A_546 : i32 to index
    %swap3A_555 = tpu.vector_load %arg6[%swap3A] {strides = array<i32>} : memref<32768xf32, #tpu.memory_space<vmem>>, vector<16xf32>,
    %swap3A_556 = vector.shape_cast %swap3A_555 : vector<16xf32> to vector<16xf32>
    %swap3A_557 = vector.shape_cast %select_n3A_554 : vector<16xf32> to vector<16xf32>
    tpu.vector_store %arg6[%swap3A], %swap3A_557 {strides = array<i32>} : memref<32768xf32, #tpu.memory_space<vmem>>, vector<16xf32>,
    %dma_start3A_558 = arith.constant 0 : i32
    %dma_start3A_559 = tpu.memref_slice %arg3[%mul3A_2, %dma_start3A_558] : memref<64x32768xf32, #tpu.memory_space<hbm>> -> memref<1x32768xf32, #tpu.memory_space<hbm>>
    %dma_start3A_560 = tpu.memref_squeeze %dma_start3A_559 : memref<1x32768xf32, #tpu.memory_space<hbm>> -> memref<32768xf32, #tpu.memory_space<hbm>>
    %dma_start3A_561 = arith.constant 0 : i32
    %dma_start3A_562 = tpu.memref_slice %arg3[%mul3A_2, %dma_start3A_561] : memref<64x32768xf32, #tpu.memory_space<hbm>> -> memref<1x32768xf32, #tpu.memory_space<hbm>>
    %dma_start3A_563 = tpu.memref_squeeze %dma_start3A_562 : memref<1x32768xf32, #tpu.memory_space<hbm>> -> memref<32768xf32, #tpu.memory_space<hbm>>
    tpu.enqueue_dma source(%arg6 : memref<32768xf32, #tpu.memory_space<vmem>>) target(%dma_start3A_563 : memref<32768xf32, #tpu.memory_space<hbm>>) target_semaphore(%arg9 : memref<!tpu.dma_semaphore, #tpu.memory_space<semaphore_mem>>)
    %dma_wait3A_564 = arith.constant 0 : i32
    %dma_wait3A_565 = tpu.memref_slice %arg2[%add3A_9, %dma_wait3A_564] : memref<64x32768xf32, #tpu.memory_space<hbm>> -> memref<1x32768xf32, #tpu.memory_space<hbm>>
    %dma_wait3A_566 = tpu.memref_squeeze %dma_wait3A_565 : memref<1x32768xf32, #tpu.memory_space<hbm>> -> memref<32768xf32, #tpu.memory_space<hbm>>
    %dma_wait3A_567 = arith.constant 0 : i32
    %dma_wait3A_568 = tpu.memref_slice %arg2[%add3A_9, %dma_wait3A_567] : memref<64x32768xf32, #tpu.memory_space<hbm>> -> memref<1x32768xf32, #tpu.memory_space<hbm>>
    %dma_wait3A_569 = tpu.memref_squeeze %dma_wait3A_568 : memref<1x32768xf32, #tpu.memory_space<hbm>> -> memref<32768xf32, #tpu.memory_space<hbm>>
    tpu.wait_dma2 semaphore(%arg8 : memref<!tpu.dma_semaphore, #tpu.memory_space<semaphore_mem>>) src(%dma_wait3A_569 : memref<32768xf32, #tpu.memory_space<hbm>>) dst(%arg5 : memref<32768xf32, #tpu.memory_space<vmem>>)
    %iota3A_570 = tpu.iota {dimensions = array<i32: 0>} : vector<16xi32>
    %broadcast_in_dim3A_571 = arith.constant 0xFF800000 : f32
    %broadcast_in_dim3A_572 = vector.broadcast %broadcast_in_dim3A_571 : f32 to vector<16xf32>
    %broadcast_in_dim3A_573 = arith.constant 0xFF800000 : f32
    %broadcast_in_dim3A_574 = vector.broadcast %broadcast_in_dim3A_573 : f32 to vector<16xf32>
    %broadcast_in_dim3A_575 = arith.constant 0xFF800000 : f32
    %broadcast_in_dim3A_576 = vector.broadcast %broadcast_in_dim3A_575 : f32 to vector<16xf32>
    %broadcast_in_dim3A_577 = arith.constant 0xFF800000 : f32
    %broadcast_in_dim3A_578 = vector.broadcast %broadcast_in_dim3A_577 : f32 to vector<16xf32>
    %broadcast_in_dim3A_579 = arith.constant 0xFF800000 : f32
    %broadcast_in_dim3A_580 = vector.broadcast %broadcast_in_dim3A_579 : f32 to vector<16xf32>
    %broadcast_in_dim3A_581 = arith.constant 0xFF800000 : f32
    %broadcast_in_dim3A_582 = vector.broadcast %broadcast_in_dim3A_581 : f32 to vector<16xf32>
    %broadcast_in_dim3A_583 = arith.constant 0xFF800000 : f32
    %broadcast_in_dim3A_584 = vector.broadcast %broadcast_in_dim3A_583 : f32 to vector<16xf32>
    %broadcast_in_dim3A_585 = arith.constant 0xFF800000 : f32
    %broadcast_in_dim3A_586 = vector.broadcast %broadcast_in_dim3A_585 : f32 to vector<16xf32>
    %broadcast_in_dim3A_587 = arith.constant 0xFF800000 : f32
    %broadcast_in_dim3A_588 = vector.broadcast %broadcast_in_dim3A_587 : f32 to vector<16xf32>
    %broadcast_in_dim3A_589 = arith.constant 0xFF800000 : f32
    %broadcast_in_dim3A_590 = vector.broadcast %broadcast_in_dim3A_589 : f32 to vector<16xf32>
    %broadcast_in_dim3A_591 = arith.constant 0xFF800000 : f32
    %broadcast_in_dim3A_592 = vector.broadcast %broadcast_in_dim3A_591 : f32 to vector<16xf32>
    %broadcast_in_dim3A_593 = arith.constant 0xFF800000 : f32
    %broadcast_in_dim3A_594 = vector.broadcast %broadcast_in_dim3A_593 : f32 to vector<16xf32>
    %broadcast_in_dim3A_595 = arith.constant 0xFF800000 : f32
    %broadcast_in_dim3A_596 = vector.broadcast %broadcast_in_dim3A_595 : f32 to vector<16xf32>
    %broadcast_in_dim3A_597 = arith.constant 0xFF800000 : f32
    %broadcast_in_dim3A_598 = vector.broadcast %broadcast_in_dim3A_597 : f32 to vector<16xf32>
    %broadcast_in_dim3A_599 = arith.constant 0xFF800000 : f32
    %broadcast_in_dim3A_600 = vector.broadcast %broadcast_in_dim3A_599 : f32 to vector<16xf32>
    %broadcast_in_dim3A_601 = arith.constant 0xFF800000 : f32
    %broadcast_in_dim3A_602 = vector.broadcast %broadcast_in_dim3A_601 : f32 to vector<16xf32>
    %broadcast_in_dim3A_603 = arith.constant 0 : i32
    %broadcast_in_dim3A_604 = vector.broadcast %broadcast_in_dim3A_603 : i32 to vector<16xi32>
    %broadcast_in_dim3A_605 = arith.constant 0 : i32
    %broadcast_in_dim3A_606 = vector.broadcast %broadcast_in_dim3A_605 : i32 to vector<16xi32>
    %broadcast_in_dim3A_607 = arith.constant 0 : i32
    %broadcast_in_dim3A_608 = vector.broadcast %broadcast_in_dim3A_607 : i32 to vector<16xi32>
    %broadcast_in_dim3A_609 = arith.constant 0 : i32
    %broadcast_in_dim3A_610 = vector.broadcast %broadcast_in_dim3A_609 : i32 to vector<16xi32>
    %broadcast_in_dim3A_611 = arith.constant 0 : i32
    %broadcast_in_dim3A_612 = vector.broadcast %broadcast_in_dim3A_611 : i32 to vector<16xi32>
    %broadcast_in_dim3A_613 = arith.constant 0 : i32
    %broadcast_in_dim3A_614 = vector.broadcast %broadcast_in_dim3A_613 : i32 to vector<16xi32>
    %broadcast_in_dim3A_615 = arith.constant 0 : i32
    %broadcast_in_dim3A_616 = vector.broadcast %broadcast_in_dim3A_615 : i32 to vector<16xi32>
    %broadcast_in_dim3A_617 = arith.constant 0 : i32
    %broadcast_in_dim3A_618 = vector.broadcast %broadcast_in_dim3A_617 : i32 to vector<16xi32>
    %broadcast_in_dim3A_619 = arith.constant 0 : i32
    %broadcast_in_dim3A_620 = vector.broadcast %broadcast_in_dim3A_619 : i32 to vector<16xi32>
    %broadcast_in_dim3A_621 = arith.constant 0 : i32
    %broadcast_in_dim3A_622 = vector.broadcast %broadcast_in_dim3A_621 : i32 to vector<16xi32>
    %broadcast_in_dim3A_623 = arith.constant 0 : i32
    %broadcast_in_dim3A_624 = vector.broadcast %broadcast_in_dim3A_623 : i32 to vector<16xi32>
    %broadcast_in_dim3A_625 = arith.constant 0 : i32
    %broadcast_in_dim3A_626 = vector.broadcast %broadcast_in_dim3A_625 : i32 to vector<16xi32>
    %broadcast_in_dim3A_627 = arith.constant 0 : i32
    %broadcast_in_dim3A_628 = vector.broadcast %broadcast_in_dim3A_627 : i32 to vector<16xi32>
    %broadcast_in_dim3A_629 = arith.constant 0 : i32
    %broadcast_in_dim3A_630 = vector.broadcast %broadcast_in_dim3A_629 : i32 to vector<16xi32>
    %broadcast_in_dim3A_631 = arith.constant 0 : i32
    %broadcast_in_dim3A_632 = vector.broadcast %broadcast_in_dim3A_631 : i32 to vector<16xi32>
    %broadcast_in_dim3A_633 = arith.constant 0 : i32
    %broadcast_in_dim3A_634 = vector.broadcast %broadcast_in_dim3A_633 : i32 to vector<16xi32>
    %broadcast_in_dim3A_635 = arith.constant 0 : i32
    %broadcast_in_dim3A_636 = vector.broadcast %broadcast_in_dim3A_635 : i32 to vector<16xi32>
    %scan3A_637 = arith.constant 0 : i32
    %scan3A_638 = arith.constant 128 : i32
    %scan3A_639 = arith.addi %scan3A_637, %scan3A_638 : i32
    %scan3A_640 = arith.constant 1 : i32
    %scan3A_641:33 = scf.for %scan3A_1163 = %scan3A_637 to %scan3A_639 step %scan3A_640 iter_args(%scan3A_1164 = %broadcast_in_dim3A_572, %scan3A_1165 = %broadcast_in_dim3A_574, %scan3A_1166 = %broadcast_in_dim3A_576, %scan3A_1167 = %broadcast_in_dim3A_578, %scan3A_1168 = %broadcast_in_dim3A_580, %scan3A_1169 = %broadcast_in_dim3A_582, %scan3A_1170 = %broadcast_in_dim3A_584, %scan3A_1171 = %broadcast_in_dim3A_586, %scan3A_1172 = %broadcast_in_dim3A_588, %scan3A_1173 = %broadcast_in_dim3A_590, %scan3A_1174 = %broadcast_in_dim3A_592, %scan3A_1175 = %broadcast_in_dim3A_594, %scan3A_1176 = %broadcast_in_dim3A_596, %scan3A_1177 = %broadcast_in_dim3A_598, %scan3A_1178 = %broadcast_in_dim3A_600, %scan3A_1179 = %broadcast_in_dim3A_602, %scan3A_1180 = %broadcast_in_dim3A_604, %scan3A_1181 = %broadcast_in_dim3A_606, %scan3A_1182 = %broadcast_in_dim3A_608, %scan3A_1183 = %broadcast_in_dim3A_610, %scan3A_1184 = %broadcast_in_dim3A_612, %scan3A_1185 = %broadcast_in_dim3A_614, %scan3A_1186 = %broadcast_in_dim3A_616, %scan3A_1187 = %broadcast_in_dim3A_618, %scan3A_1188 = %broadcast_in_dim3A_620, %scan3A_1189 = %broadcast_in_dim3A_622, %scan3A_1190 = %broadcast_in_dim3A_624, %scan3A_1191 = %broadcast_in_dim3A_626, %scan3A_1192 = %broadcast_in_dim3A_628, %scan3A_1193 = %broadcast_in_dim3A_630, %scan3A_1194 = %broadcast_in_dim3A_632, %scan3A_1195 = %broadcast_in_dim3A_634, %scan3A_1196 = %broadcast_in_dim3A_636) -> (vector<16xf32>, vector<16xf32>, vector<16xf32>, vector<16xf32>, vector<16xf32>, vector<16xf32>, vector<16xf32>, vector<16xf32>, vector<16xf32>, vector<16xf32>, vector<16xf32>, vector<16xf32>, vector<16xf32>, vector<16xf32>, vector<16xf32>, vector<16xf32>, vector<16xi32>, vector<16xi32>, vector<16xi32>, vector<16xi32>, vector<16xi32>, vector<16xi32>, vector<16xi32>, vector<16xi32>, vector<16xi32>, vector<16xi32>, vector<16xi32>, vector<16xi32>, vector<16xi32>, vector<16xi32>, vector<16xi32>, vector<16xi32>, vector<16xi32>)  : i32 {
      %mul3A_1197 = arith.constant 256 : i32
      %mul3A_1198 = arith.muli %scan3A_1163, %mul3A_1197 : i32
      %add3A_1199 = arith.constant 0 : i32
      %add3A_1200 = arith.addi %mul3A_1198, %add3A_1199 : i32
      %get3A = arith.index_cast %add3A_1200 : i32 to index
      %get3A_1201 = tpu.vector_load %arg5[%get3A] {strides = array<i32>} : memref<32768xf32, #tpu.memory_space<vmem>>, vector<16xf32>,
      %get3A_1202 = vector.shape_cast %get3A_1201 : vector<16xf32> to vector<16xf32>
      %gt3A_1203 = arith.cmpf ogt, %get3A_1202, %scan3A_1164 : vector<16xf32>
      %select_n3A_1204 = arith.select %gt3A_1203, %get3A_1202, %scan3A_1164 : vector<16xi1>, vector<16xf32>
      %select_n3A_1205 = arith.select %gt3A_1203, %scan3A_1196, %scan3A_1180 : vector<16xi1>, vector<16xi32>
      %add3A_1206 = arith.constant 16 : i32
      %add3A_1207 = arith.addi %mul3A_1198, %add3A_1206 : i32
      %get3A_1208 = arith.index_cast %add3A_1207 : i32 to index
      %get3A_1209 = tpu.vector_load %arg5[%get3A_1208] {strides = array<i32>} : memref<32768xf32, #tpu.memory_space<vmem>>, vector<16xf32>,
      %get3A_1210 = vector.shape_cast %get3A_1209 : vector<16xf32> to vector<16xf32>
      %gt3A_1211 = arith.cmpf ogt, %get3A_1210, %scan3A_1165 : vector<16xf32>
      %select_n3A_1212 = arith.select %gt3A_1211, %get3A_1210, %scan3A_1165 : vector<16xi1>, vector<16xf32>
      %select_n3A_1213 = arith.select %gt3A_1211, %scan3A_1196, %scan3A_1181 : vector<16xi1>, vector<16xi32>
      %add3A_1214 = arith.constant 32 : i32
      %add3A_1215 = arith.addi %mul3A_1198, %add3A_1214 : i32
      %get3A_1216 = arith.index_cast %add3A_1215 : i32 to index
      %get3A_1217 = tpu.vector_load %arg5[%get3A_1216] {strides = array<i32>} : memref<32768xf32, #tpu.memory_space<vmem>>, vector<16xf32>,
      %get3A_1218 = vector.shape_cast %get3A_1217 : vector<16xf32> to vector<16xf32>
      %gt3A_1219 = arith.cmpf ogt, %get3A_1218, %scan3A_1166 : vector<16xf32>
      %select_n3A_1220 = arith.select %gt3A_1219, %get3A_1218, %scan3A_1166 : vector<16xi1>, vector<16xf32>
      %select_n3A_1221 = arith.select %gt3A_1219, %scan3A_1196, %scan3A_1182 : vector<16xi1>, vector<16xi32>
      %add3A_1222 = arith.constant 48 : i32
      %add3A_1223 = arith.addi %mul3A_1198, %add3A_1222 : i32
      %get3A_1224 = arith.index_cast %add3A_1223 : i32 to index
      %get3A_1225 = tpu.vector_load %arg5[%get3A_1224] {strides = array<i32>} : memref<32768xf32, #tpu.memory_space<vmem>>, vector<16xf32>,
      %get3A_1226 = vector.shape_cast %get3A_1225 : vector<16xf32> to vector<16xf32>
      %gt3A_1227 = arith.cmpf ogt, %get3A_1226, %scan3A_1167 : vector<16xf32>
      %select_n3A_1228 = arith.select %gt3A_1227, %get3A_1226, %scan3A_1167 : vector<16xi1>, vector<16xf32>
      %select_n3A_1229 = arith.select %gt3A_1227, %scan3A_1196, %scan3A_1183 : vector<16xi1>, vector<16xi32>
      %add3A_1230 = arith.constant 64 : i32
      %add3A_1231 = arith.addi %mul3A_1198, %add3A_1230 : i32
      %get3A_1232 = arith.index_cast %add3A_1231 : i32 to index
      %get3A_1233 = tpu.vector_load %arg5[%get3A_1232] {strides = array<i32>} : memref<32768xf32, #tpu.memory_space<vmem>>, vector<16xf32>,
      %get3A_1234 = vector.shape_cast %get3A_1233 : vector<16xf32> to vector<16xf32>
      %gt3A_1235 = arith.cmpf ogt, %get3A_1234, %scan3A_1168 : vector<16xf32>
      %select_n3A_1236 = arith.select %gt3A_1235, %get3A_1234, %scan3A_1168 : vector<16xi1>, vector<16xf32>
      %select_n3A_1237 = arith.select %gt3A_1235, %scan3A_1196, %scan3A_1184 : vector<16xi1>, vector<16xi32>
      %add3A_1238 = arith.constant 80 : i32
      %add3A_1239 = arith.addi %mul3A_1198, %add3A_1238 : i32
      %get3A_1240 = arith.index_cast %add3A_1239 : i32 to index
      %get3A_1241 = tpu.vector_load %arg5[%get3A_1240] {strides = array<i32>} : memref<32768xf32, #tpu.memory_space<vmem>>, vector<16xf32>,
      %get3A_1242 = vector.shape_cast %get3A_1241 : vector<16xf32> to vector<16xf32>
      %gt3A_1243 = arith.cmpf ogt, %get3A_1242, %scan3A_1169 : vector<16xf32>
      %select_n3A_1244 = arith.select %gt3A_1243, %get3A_1242, %scan3A_1169 : vector<16xi1>, vector<16xf32>
      %select_n3A_1245 = arith.select %gt3A_1243, %scan3A_1196, %scan3A_1185 : vector<16xi1>, vector<16xi32>
      %add3A_1246 = arith.constant 96 : i32
      %add3A_1247 = arith.addi %mul3A_1198, %add3A_1246 : i32
      %get3A_1248 = arith.index_cast %add3A_1247 : i32 to index
      %get3A_1249 = tpu.vector_load %arg5[%get3A_1248] {strides = array<i32>} : memref<32768xf32, #tpu.memory_space<vmem>>, vector<16xf32>,
      %get3A_1250 = vector.shape_cast %get3A_1249 : vector<16xf32> to vector<16xf32>
      %gt3A_1251 = arith.cmpf ogt, %get3A_1250, %scan3A_1170 : vector<16xf32>
      %select_n3A_1252 = arith.select %gt3A_1251, %get3A_1250, %scan3A_1170 : vector<16xi1>, vector<16xf32>
      %select_n3A_1253 = arith.select %gt3A_1251, %scan3A_1196, %scan3A_1186 : vector<16xi1>, vector<16xi32>
      %add3A_1254 = arith.constant 112 : i32
      %add3A_1255 = arith.addi %mul3A_1198, %add3A_1254 : i32
      %get3A_1256 = arith.index_cast %add3A_1255 : i32 to index
      %get3A_1257 = tpu.vector_load %arg5[%get3A_1256] {strides = array<i32>} : memref<32768xf32, #tpu.memory_space<vmem>>, vector<16xf32>,
      %get3A_1258 = vector.shape_cast %get3A_1257 : vector<16xf32> to vector<16xf32>
      %gt3A_1259 = arith.cmpf ogt, %get3A_1258, %scan3A_1171 : vector<16xf32>
      %select_n3A_1260 = arith.select %gt3A_1259, %get3A_1258, %scan3A_1171 : vector<16xi1>, vector<16xf32>
      %select_n3A_1261 = arith.select %gt3A_1259, %scan3A_1196, %scan3A_1187 : vector<16xi1>, vector<16xi32>
      %add3A_1262 = arith.constant 128 : i32
      %add3A_1263 = arith.addi %mul3A_1198, %add3A_1262 : i32
      %get3A_1264 = arith.index_cast %add3A_1263 : i32 to index
      %get3A_1265 = tpu.vector_load %arg5[%get3A_1264] {strides = array<i32>} : memref<32768xf32, #tpu.memory_space<vmem>>, vector<16xf32>,
      %get3A_1266 = vector.shape_cast %get3A_1265 : vector<16xf32> to vector<16xf32>
      %gt3A_1267 = arith.cmpf ogt, %get3A_1266, %scan3A_1172 : vector<16xf32>
      %select_n3A_1268 = arith.select %gt3A_1267, %get3A_1266, %scan3A_1172 : vector<16xi1>, vector<16xf32>
      %select_n3A_1269 = arith.select %gt3A_1267, %scan3A_1196, %scan3A_1188 : vector<16xi1>, vector<16xi32>
      %add3A_1270 = arith.constant 144 : i32
      %add3A_1271 = arith.addi %mul3A_1198, %add3A_1270 : i32
      %get3A_1272 = arith.index_cast %add3A_1271 : i32 to index
      %get3A_1273 = tpu.vector_load %arg5[%get3A_1272] {strides = array<i32>} : memref<32768xf32, #tpu.memory_space<vmem>>, vector<16xf32>,
      %get3A_1274 = vector.shape_cast %get3A_1273 : vector<16xf32> to vector<16xf32>
      %gt3A_1275 = arith.cmpf ogt, %get3A_1274, %scan3A_1173 : vector<16xf32>
      %select_n3A_1276 = arith.select %gt3A_1275, %get3A_1274, %scan3A_1173 : vector<16xi1>, vector<16xf32>
      %select_n3A_1277 = arith.select %gt3A_1275, %scan3A_1196, %scan3A_1189 : vector<16xi1>, vector<16xi32>
      %add3A_1278 = arith.constant 160 : i32
      %add3A_1279 = arith.addi %mul3A_1198, %add3A_1278 : i32
      %get3A_1280 = arith.index_cast %add3A_1279 : i32 to index
      %get3A_1281 = tpu.vector_load %arg5[%get3A_1280] {strides = array<i32>} : memref<32768xf32, #tpu.memory_space<vmem>>, vector<16xf32>,
      %get3A_1282 = vector.shape_cast %get3A_1281 : vector<16xf32> to vector<16xf32>
      %gt3A_1283 = arith.cmpf ogt, %get3A_1282, %scan3A_1174 : vector<16xf32>
      %select_n3A_1284 = arith.select %gt3A_1283, %get3A_1282, %scan3A_1174 : vector<16xi1>, vector<16xf32>
      %select_n3A_1285 = arith.select %gt3A_1283, %scan3A_1196, %scan3A_1190 : vector<16xi1>, vector<16xi32>
      %add3A_1286 = arith.constant 176 : i32
      %add3A_1287 = arith.addi %mul3A_1198, %add3A_1286 : i32
      %get3A_1288 = arith.index_cast %add3A_1287 : i32 to index
      %get3A_1289 = tpu.vector_load %arg5[%get3A_1288] {strides = array<i32>} : memref<32768xf32, #tpu.memory_space<vmem>>, vector<16xf32>,
      %get3A_1290 = vector.shape_cast %get3A_1289 : vector<16xf32> to vector<16xf32>
      %gt3A_1291 = arith.cmpf ogt, %get3A_1290, %scan3A_1175 : vector<16xf32>
      %select_n3A_1292 = arith.select %gt3A_1291, %get3A_1290, %scan3A_1175 : vector<16xi1>, vector<16xf32>
      %select_n3A_1293 = arith.select %gt3A_1291, %scan3A_1196, %scan3A_1191 : vector<16xi1>, vector<16xi32>
      %add3A_1294 = arith.constant 192 : i32
      %add3A_1295 = arith.addi %mul3A_1198, %add3A_1294 : i32
      %get3A_1296 = arith.index_cast %add3A_1295 : i32 to index
      %get3A_1297 = tpu.vector_load %arg5[%get3A_1296] {strides = array<i32>} : memref<32768xf32, #tpu.memory_space<vmem>>, vector<16xf32>,
      %get3A_1298 = vector.shape_cast %get3A_1297 : vector<16xf32> to vector<16xf32>
      %gt3A_1299 = arith.cmpf ogt, %get3A_1298, %scan3A_1176 : vector<16xf32>
      %select_n3A_1300 = arith.select %gt3A_1299, %get3A_1298, %scan3A_1176 : vector<16xi1>, vector<16xf32>
      %select_n3A_1301 = arith.select %gt3A_1299, %scan3A_1196, %scan3A_1192 : vector<16xi1>, vector<16xi32>
      %add3A_1302 = arith.constant 208 : i32
      %add3A_1303 = arith.addi %mul3A_1198, %add3A_1302 : i32
      %get3A_1304 = arith.index_cast %add3A_1303 : i32 to index
      %get3A_1305 = tpu.vector_load %arg5[%get3A_1304] {strides = array<i32>} : memref<32768xf32, #tpu.memory_space<vmem>>, vector<16xf32>,
      %get3A_1306 = vector.shape_cast %get3A_1305 : vector<16xf32> to vector<16xf32>
      %gt3A_1307 = arith.cmpf ogt, %get3A_1306, %scan3A_1177 : vector<16xf32>
      %select_n3A_1308 = arith.select %gt3A_1307, %get3A_1306, %scan3A_1177 : vector<16xi1>, vector<16xf32>
      %select_n3A_1309 = arith.select %gt3A_1307, %scan3A_1196, %scan3A_1193 : vector<16xi1>, vector<16xi32>
      %add3A_1310 = arith.constant 224 : i32
      %add3A_1311 = arith.addi %mul3A_1198, %add3A_1310 : i32
      %get3A_1312 = arith.index_cast %add3A_1311 : i32 to index
      %get3A_1313 = tpu.vector_load %arg5[%get3A_1312] {strides = array<i32>} : memref<32768xf32, #tpu.memory_space<vmem>>, vector<16xf32>,
      %get3A_1314 = vector.shape_cast %get3A_1313 : vector<16xf32> to vector<16xf32>
      %gt3A_1315 = arith.cmpf ogt, %get3A_1314, %scan3A_1178 : vector<16xf32>
      %select_n3A_1316 = arith.select %gt3A_1315, %get3A_1314, %scan3A_1178 : vector<16xi1>, vector<16xf32>
      %select_n3A_1317 = arith.select %gt3A_1315, %scan3A_1196, %scan3A_1194 : vector<16xi1>, vector<16xi32>
      %add3A_1318 = arith.constant 240 : i32
      %add3A_1319 = arith.addi %mul3A_1198, %add3A_1318 : i32
      %get3A_1320 = arith.index_cast %add3A_1319 : i32 to index
      %get3A_1321 = tpu.vector_load %arg5[%get3A_1320] {strides = array<i32>} : memref<32768xf32, #tpu.memory_space<vmem>>, vector<16xf32>,
      %get3A_1322 = vector.shape_cast %get3A_1321 : vector<16xf32> to vector<16xf32>
      %gt3A_1323 = arith.cmpf ogt, %get3A_1322, %scan3A_1179 : vector<16xf32>
      %select_n3A_1324 = arith.select %gt3A_1323, %get3A_1322, %scan3A_1179 : vector<16xi1>, vector<16xf32>
      %select_n3A_1325 = arith.select %gt3A_1323, %scan3A_1196, %scan3A_1195 : vector<16xi1>, vector<16xi32>
      %add3A_1326 = arith.constant 1 : i32
      %add3A_1327 = vector.broadcast %add3A_1326 : i32 to vector<16xi32>
      %add3A_1328 = arith.addi %scan3A_1196, %add3A_1327 : vector<16xi32>
      scf.yield %select_n3A_1204, %select_n3A_1212, %select_n3A_1220, %select_n3A_1228, %select_n3A_1236, %select_n3A_1244, %select_n3A_1252, %select_n3A_1260, %select_n3A_1268, %select_n3A_1276, %select_n3A_1284, %select_n3A_1292, %select_n3A_1300, %select_n3A_1308, %select_n3A_1316, %select_n3A_1324, %select_n3A_1205, %select_n3A_1213, %select_n3A_1221, %select_n3A_1229, %select_n3A_1237, %select_n3A_1245, %select_n3A_1253, %select_n3A_1261, %select_n3A_1269, %select_n3A_1277, %select_n3A_1285, %select_n3A_1293, %select_n3A_1301, %select_n3A_1309, %select_n3A_1317, %select_n3A_1325, %add3A_1328 : vector<16xf32>, vector<16xf32>, vector<16xf32>, vector<16xf32>, vector<16xf32>, vector<16xf32>, vector<16xf32>, vector<16xf32>, vector<16xf32>, vector<16xf32>, vector<16xf32>, vector<16xf32>, vector<16xf32>, vector<16xf32>, vector<16xf32>, vector<16xf32>, vector<16xi32>, vector<16xi32>, vector<16xi32>, vector<16xi32>, vector<16xi32>, vector<16xi32>, vector<16xi32>, vector<16xi32>, vector<16xi32>, vector<16xi32>, vector<16xi32>, vector<16xi32>, vector<16xi32>, vector<16xi32>, vector<16xi32>, vector<16xi32>, vector<16xi32>
    }
    %scan3A_642 = arith.constant 128 : i32
    %mul3A_643 = arith.constant 16 : i32
    %mul3A_644 = vector.broadcast %mul3A_643 : i32 to vector<16xi32>
    %mul3A_645 = arith.muli %scan3A_641#16, %mul3A_644 : vector<16xi32>
    %add3A_646 = arith.constant 0 : i32
    %add3A_647 = vector.broadcast %add3A_646 : i32 to vector<16xi32>
    %add3A_648 = arith.addi %mul3A_645, %add3A_647 : vector<16xi32>
    %mul3A_649 = arith.constant 16 : i32
    %mul3A_650 = vector.broadcast %mul3A_649 : i32 to vector<16xi32>
    %mul3A_651 = arith.muli %add3A_648, %mul3A_650 : vector<16xi32>
    %add3A_652 = arith.addi %mul3A_651, %iota3A_570 : vector<16xi32>
    %mul3A_653 = arith.constant 16 : i32
    %mul3A_654 = vector.broadcast %mul3A_653 : i32 to vector<16xi32>
    %mul3A_655 = arith.muli %scan3A_641#17, %mul3A_654 : vector<16xi32>
    %add3A_656 = arith.constant 1 : i32
    %add3A_657 = vector.broadcast %add3A_656 : i32 to vector<16xi32>
    %add3A_658 = arith.addi %mul3A_655, %add3A_657 : vector<16xi32>
    %mul3A_659 = arith.constant 16 : i32
    %mul3A_660 = vector.broadcast %mul3A_659 : i32 to vector<16xi32>
    %mul3A_661 = arith.muli %add3A_658, %mul3A_660 : vector<16xi32>
    %add3A_662 = arith.addi %mul3A_661, %iota3A_570 : vector<16xi32>
    %mul3A_663 = arith.constant 16 : i32
    %mul3A_664 = vector.broadcast %mul3A_663 : i32 to vector<16xi32>
    %mul3A_665 = arith.muli %scan3A_641#18, %mul3A_664 : vector<16xi32>
    %add3A_666 = arith.constant 2 : i32
    %add3A_667 = vector.broadcast %add3A_666 : i32 to vector<16xi32>
    %add3A_668 = arith.addi %mul3A_665, %add3A_667 : vector<16xi32>
    %mul3A_669 = arith.constant 16 : i32
    %mul3A_670 = vector.broadcast %mul3A_669 : i32 to vector<16xi32>
    %mul3A_671 = arith.muli %add3A_668, %mul3A_670 : vector<16xi32>
    %add3A_672 = arith.addi %mul3A_671, %iota3A_570 : vector<16xi32>
    %mul3A_673 = arith.constant 16 : i32
    %mul3A_674 = vector.broadcast %mul3A_673 : i32 to vector<16xi32>
    %mul3A_675 = arith.muli %scan3A_641#19, %mul3A_674 : vector<16xi32>
    %add3A_676 = arith.constant 3 : i32
    %add3A_677 = vector.broadcast %add3A_676 : i32 to vector<16xi32>
    %add3A_678 = arith.addi %mul3A_675, %add3A_677 : vector<16xi32>
    %mul3A_679 = arith.constant 16 : i32
    %mul3A_680 = vector.broadcast %mul3A_679 : i32 to vector<16xi32>
    %mul3A_681 = arith.muli %add3A_678, %mul3A_680 : vector<16xi32>
    %add3A_682 = arith.addi %mul3A_681, %iota3A_570 : vector<16xi32>
    %mul3A_683 = arith.constant 16 : i32
    %mul3A_684 = vector.broadcast %mul3A_683 : i32 to vector<16xi32>
    %mul3A_685 = arith.muli %scan3A_641#20, %mul3A_684 : vector<16xi32>
    %add3A_686 = arith.constant 4 : i32
    %add3A_687 = vector.broadcast %add3A_686 : i32 to vector<16xi32>
    %add3A_688 = arith.addi %mul3A_685, %add3A_687 : vector<16xi32>
    %mul3A_689 = arith.constant 16 : i32
    %mul3A_690 = vector.broadcast %mul3A_689 : i32 to vector<16xi32>
    %mul3A_691 = arith.muli %add3A_688, %mul3A_690 : vector<16xi32>
    %add3A_692 = arith.addi %mul3A_691, %iota3A_570 : vector<16xi32>
    %mul3A_693 = arith.constant 16 : i32
    %mul3A_694 = vector.broadcast %mul3A_693 : i32 to vector<16xi32>
    %mul3A_695 = arith.muli %scan3A_641#21, %mul3A_694 : vector<16xi32>
    %add3A_696 = arith.constant 5 : i32
    %add3A_697 = vector.broadcast %add3A_696 : i32 to vector<16xi32>
    %add3A_698 = arith.addi %mul3A_695, %add3A_697 : vector<16xi32>
    %mul3A_699 = arith.constant 16 : i32
    %mul3A_700 = vector.broadcast %mul3A_699 : i32 to vector<16xi32>
    %mul3A_701 = arith.muli %add3A_698, %mul3A_700 : vector<16xi32>
    %add3A_702 = arith.addi %mul3A_701, %iota3A_570 : vector<16xi32>
    %mul3A_703 = arith.constant 16 : i32
    %mul3A_704 = vector.broadcast %mul3A_703 : i32 to vector<16xi32>
    %mul3A_705 = arith.muli %scan3A_641#22, %mul3A_704 : vector<16xi32>
    %add3A_706 = arith.constant 6 : i32
    %add3A_707 = vector.broadcast %add3A_706 : i32 to vector<16xi32>
    %add3A_708 = arith.addi %mul3A_705, %add3A_707 : vector<16xi32>
    %mul3A_709 = arith.constant 16 : i32
    %mul3A_710 = vector.broadcast %mul3A_709 : i32 to vector<16xi32>
    %mul3A_711 = arith.muli %add3A_708, %mul3A_710 : vector<16xi32>
    %add3A_712 = arith.addi %mul3A_711, %iota3A_570 : vector<16xi32>
    %mul3A_713 = arith.constant 16 : i32
    %mul3A_714 = vector.broadcast %mul3A_713 : i32 to vector<16xi32>
    %mul3A_715 = arith.muli %scan3A_641#23, %mul3A_714 : vector<16xi32>
    %add3A_716 = arith.constant 7 : i32
    %add3A_717 = vector.broadcast %add3A_716 : i32 to vector<16xi32>
    %add3A_718 = arith.addi %mul3A_715, %add3A_717 : vector<16xi32>
    %mul3A_719 = arith.constant 16 : i32
    %mul3A_720 = vector.broadcast %mul3A_719 : i32 to vector<16xi32>
    %mul3A_721 = arith.muli %add3A_718, %mul3A_720 : vector<16xi32>
    %add3A_722 = arith.addi %mul3A_721, %iota3A_570 : vector<16xi32>
    %mul3A_723 = arith.constant 16 : i32
    %mul3A_724 = vector.broadcast %mul3A_723 : i32 to vector<16xi32>
    %mul3A_725 = arith.muli %scan3A_641#24, %mul3A_724 : vector<16xi32>
    %add3A_726 = arith.constant 8 : i32
    %add3A_727 = vector.broadcast %add3A_726 : i32 to vector<16xi32>
    %add3A_728 = arith.addi %mul3A_725, %add3A_727 : vector<16xi32>
    %mul3A_729 = arith.constant 16 : i32
    %mul3A_730 = vector.broadcast %mul3A_729 : i32 to vector<16xi32>
    %mul3A_731 = arith.muli %add3A_728, %mul3A_730 : vector<16xi32>
    %add3A_732 = arith.addi %mul3A_731, %iota3A_570 : vector<16xi32>
    %mul3A_733 = arith.constant 16 : i32
    %mul3A_734 = vector.broadcast %mul3A_733 : i32 to vector<16xi32>
    %mul3A_735 = arith.muli %scan3A_641#25, %mul3A_734 : vector<16xi32>
    %add3A_736 = arith.constant 9 : i32
    %add3A_737 = vector.broadcast %add3A_736 : i32 to vector<16xi32>
    %add3A_738 = arith.addi %mul3A_735, %add3A_737 : vector<16xi32>
    %mul3A_739 = arith.constant 16 : i32
    %mul3A_740 = vector.broadcast %mul3A_739 : i32 to vector<16xi32>
    %mul3A_741 = arith.muli %add3A_738, %mul3A_740 : vector<16xi32>
    %add3A_742 = arith.addi %mul3A_741, %iota3A_570 : vector<16xi32>
    %mul3A_743 = arith.constant 16 : i32
    %mul3A_744 = vector.broadcast %mul3A_743 : i32 to vector<16xi32>
    %mul3A_745 = arith.muli %scan3A_641#26, %mul3A_744 : vector<16xi32>
    %add3A_746 = arith.constant 10 : i32
    %add3A_747 = vector.broadcast %add3A_746 : i32 to vector<16xi32>
    %add3A_748 = arith.addi %mul3A_745, %add3A_747 : vector<16xi32>
    %mul3A_749 = arith.constant 16 : i32
    %mul3A_750 = vector.broadcast %mul3A_749 : i32 to vector<16xi32>
    %mul3A_751 = arith.muli %add3A_748, %mul3A_750 : vector<16xi32>
    %add3A_752 = arith.addi %mul3A_751, %iota3A_570 : vector<16xi32>
    %mul3A_753 = arith.constant 16 : i32
    %mul3A_754 = vector.broadcast %mul3A_753 : i32 to vector<16xi32>
    %mul3A_755 = arith.muli %scan3A_641#27, %mul3A_754 : vector<16xi32>
    %add3A_756 = arith.constant 11 : i32
    %add3A_757 = vector.broadcast %add3A_756 : i32 to vector<16xi32>
    %add3A_758 = arith.addi %mul3A_755, %add3A_757 : vector<16xi32>
    %mul3A_759 = arith.constant 16 : i32
    %mul3A_760 = vector.broadcast %mul3A_759 : i32 to vector<16xi32>
    %mul3A_761 = arith.muli %add3A_758, %mul3A_760 : vector<16xi32>
    %add3A_762 = arith.addi %mul3A_761, %iota3A_570 : vector<16xi32>
    %mul3A_763 = arith.constant 16 : i32
    %mul3A_764 = vector.broadcast %mul3A_763 : i32 to vector<16xi32>
    %mul3A_765 = arith.muli %scan3A_641#28, %mul3A_764 : vector<16xi32>
    %add3A_766 = arith.constant 12 : i32
    %add3A_767 = vector.broadcast %add3A_766 : i32 to vector<16xi32>
    %add3A_768 = arith.addi %mul3A_765, %add3A_767 : vector<16xi32>
    %mul3A_769 = arith.constant 16 : i32
    %mul3A_770 = vector.broadcast %mul3A_769 : i32 to vector<16xi32>
    %mul3A_771 = arith.muli %add3A_768, %mul3A_770 : vector<16xi32>
    %add3A_772 = arith.addi %mul3A_771, %iota3A_570 : vector<16xi32>
    %mul3A_773 = arith.constant 16 : i32
    %mul3A_774 = vector.broadcast %mul3A_773 : i32 to vector<16xi32>
    %mul3A_775 = arith.muli %scan3A_641#29, %mul3A_774 : vector<16xi32>
    %add3A_776 = arith.constant 13 : i32
    %add3A_777 = vector.broadcast %add3A_776 : i32 to vector<16xi32>
    %add3A_778 = arith.addi %mul3A_775, %add3A_777 : vector<16xi32>
    %mul3A_779 = arith.constant 16 : i32
    %mul3A_780 = vector.broadcast %mul3A_779 : i32 to vector<16xi32>
    %mul3A_781 = arith.muli %add3A_778, %mul3A_780 : vector<16xi32>
    %add3A_782 = arith.addi %mul3A_781, %iota3A_570 : vector<16xi32>
    %mul3A_783 = arith.constant 16 : i32
    %mul3A_784 = vector.broadcast %mul3A_783 : i32 to vector<16xi32>
    %mul3A_785 = arith.muli %scan3A_641#30, %mul3A_784 : vector<16xi32>
    %add3A_786 = arith.constant 14 : i32
    %add3A_787 = vector.broadcast %add3A_786 : i32 to vector<16xi32>
    %add3A_788 = arith.addi %mul3A_785, %add3A_787 : vector<16xi32>
    %mul3A_789 = arith.constant 16 : i32
    %mul3A_790 = vector.broadcast %mul3A_789 : i32 to vector<16xi32>
    %mul3A_791 = arith.muli %add3A_788, %mul3A_790 : vector<16xi32>
    %add3A_792 = arith.addi %mul3A_791, %iota3A_570 : vector<16xi32>
    %mul3A_793 = arith.constant 16 : i32
    %mul3A_794 = vector.broadcast %mul3A_793 : i32 to vector<16xi32>
    %mul3A_795 = arith.muli %scan3A_641#31, %mul3A_794 : vector<16xi32>
    %add3A_796 = arith.constant 15 : i32
    %add3A_797 = vector.broadcast %add3A_796 : i32 to vector<16xi32>
    %add3A_798 = arith.addi %mul3A_795, %add3A_797 : vector<16xi32>
    %mul3A_799 = arith.constant 16 : i32
    %mul3A_800 = vector.broadcast %mul3A_799 : i32 to vector<16xi32>
    %mul3A_801 = arith.muli %add3A_798, %mul3A_800 : vector<16xi32>
    %add3A_802 = arith.addi %mul3A_801, %iota3A_570 : vector<16xi32>
    %gt3A_803 = arith.cmpf ogt, %scan3A_641#8, %scan3A_641#0 : vector<16xf32>
    %eq3A_804 = arith.cmpf oeq, %scan3A_641#8, %scan3A_641#0 : vector<16xf32>
    %lt3A_805 = arith.cmpi slt, %add3A_732, %add3A_652 : vector<16xi32>
    %and3A_806 = arith.andi %eq3A_804, %lt3A_805 : vector<16xi1>
    %or3A_807 = arith.ori %gt3A_803, %and3A_806 : vector<16xi1>
    %select_n3A_808 = arith.select %or3A_807, %scan3A_641#8, %scan3A_641#0 : vector<16xi1>, vector<16xf32>
    %select_n3A_809 = arith.select %or3A_807, %add3A_732, %add3A_652 : vector<16xi1>, vector<16xi32>
    %gt3A_810 = arith.cmpf ogt, %scan3A_641#9, %scan3A_641#1 : vector<16xf32>
    %eq3A_811 = arith.cmpf oeq, %scan3A_641#9, %scan3A_641#1 : vector<16xf32>
    %lt3A_812 = arith.cmpi slt, %add3A_742, %add3A_662 : vector<16xi32>
    %and3A_813 = arith.andi %eq3A_811, %lt3A_812 : vector<16xi1>
    %or3A_814 = arith.ori %gt3A_810, %and3A_813 : vector<16xi1>
    %select_n3A_815 = arith.select %or3A_814, %scan3A_641#9, %scan3A_641#1 : vector<16xi1>, vector<16xf32>
    %select_n3A_816 = arith.select %or3A_814, %add3A_742, %add3A_662 : vector<16xi1>, vector<16xi32>
    %gt3A_817 = arith.cmpf ogt, %scan3A_641#10, %scan3A_641#2 : vector<16xf32>
    %eq3A_818 = arith.cmpf oeq, %scan3A_641#10, %scan3A_641#2 : vector<16xf32>
    %lt3A_819 = arith.cmpi slt, %add3A_752, %add3A_672 : vector<16xi32>
    %and3A_820 = arith.andi %eq3A_818, %lt3A_819 : vector<16xi1>
    %or3A_821 = arith.ori %gt3A_817, %and3A_820 : vector<16xi1>
    %select_n3A_822 = arith.select %or3A_821, %scan3A_641#10, %scan3A_641#2 : vector<16xi1>, vector<16xf32>
    %select_n3A_823 = arith.select %or3A_821, %add3A_752, %add3A_672 : vector<16xi1>, vector<16xi32>
    %gt3A_824 = arith.cmpf ogt, %scan3A_641#11, %scan3A_641#3 : vector<16xf32>
    %eq3A_825 = arith.cmpf oeq, %scan3A_641#11, %scan3A_641#3 : vector<16xf32>
    %lt3A_826 = arith.cmpi slt, %add3A_762, %add3A_682 : vector<16xi32>
    %and3A_827 = arith.andi %eq3A_825, %lt3A_826 : vector<16xi1>
    %or3A_828 = arith.ori %gt3A_824, %and3A_827 : vector<16xi1>
    %select_n3A_829 = arith.select %or3A_828, %scan3A_641#11, %scan3A_641#3 : vector<16xi1>, vector<16xf32>
    %select_n3A_830 = arith.select %or3A_828, %add3A_762, %add3A_682 : vector<16xi1>, vector<16xi32>
    %gt3A_831 = arith.cmpf ogt, %scan3A_641#12, %scan3A_641#4 : vector<16xf32>
    %eq3A_832 = arith.cmpf oeq, %scan3A_641#12, %scan3A_641#4 : vector<16xf32>
    %lt3A_833 = arith.cmpi slt, %add3A_772, %add3A_692 : vector<16xi32>
    %and3A_834 = arith.andi %eq3A_832, %lt3A_833 : vector<16xi1>
    %or3A_835 = arith.ori %gt3A_831, %and3A_834 : vector<16xi1>
    %select_n3A_836 = arith.select %or3A_835, %scan3A_641#12, %scan3A_641#4 : vector<16xi1>, vector<16xf32>
    %select_n3A_837 = arith.select %or3A_835, %add3A_772, %add3A_692 : vector<16xi1>, vector<16xi32>
    %gt3A_838 = arith.cmpf ogt, %scan3A_641#13, %scan3A_641#5 : vector<16xf32>
    %eq3A_839 = arith.cmpf oeq, %scan3A_641#13, %scan3A_641#5 : vector<16xf32>
    %lt3A_840 = arith.cmpi slt, %add3A_782, %add3A_702 : vector<16xi32>
    %and3A_841 = arith.andi %eq3A_839, %lt3A_840 : vector<16xi1>
    %or3A_842 = arith.ori %gt3A_838, %and3A_841 : vector<16xi1>
    %select_n3A_843 = arith.select %or3A_842, %scan3A_641#13, %scan3A_641#5 : vector<16xi1>, vector<16xf32>
    %select_n3A_844 = arith.select %or3A_842, %add3A_782, %add3A_702 : vector<16xi1>, vector<16xi32>
    %gt3A_845 = arith.cmpf ogt, %scan3A_641#14, %scan3A_641#6 : vector<16xf32>
    %eq3A_846 = arith.cmpf oeq, %scan3A_641#14, %scan3A_641#6 : vector<16xf32>
    %lt3A_847 = arith.cmpi slt, %add3A_792, %add3A_712 : vector<16xi32>
    %and3A_848 = arith.andi %eq3A_846, %lt3A_847 : vector<16xi1>
    %or3A_849 = arith.ori %gt3A_845, %and3A_848 : vector<16xi1>
    %select_n3A_850 = arith.select %or3A_849, %scan3A_641#14, %scan3A_641#6 : vector<16xi1>, vector<16xf32>
    %select_n3A_851 = arith.select %or3A_849, %add3A_792, %add3A_712 : vector<16xi1>, vector<16xi32>
    %gt3A_852 = arith.cmpf ogt, %scan3A_641#15, %scan3A_641#7 : vector<16xf32>
    %eq3A_853 = arith.cmpf oeq, %scan3A_641#15, %scan3A_641#7 : vector<16xf32>
    %lt3A_854 = arith.cmpi slt, %add3A_802, %add3A_722 : vector<16xi32>
    %and3A_855 = arith.andi %eq3A_853, %lt3A_854 : vector<16xi1>
    %or3A_856 = arith.ori %gt3A_852, %and3A_855 : vector<16xi1>
    %select_n3A_857 = arith.select %or3A_856, %scan3A_641#15, %scan3A_641#7 : vector<16xi1>, vector<16xf32>
    %select_n3A_858 = arith.select %or3A_856, %add3A_802, %add3A_722 : vector<16xi1>, vector<16xi32>
    %gt3A_859 = arith.cmpf ogt, %select_n3A_836, %select_n3A_808 : vector<16xf32>
    %eq3A_860 = arith.cmpf oeq, %select_n3A_836, %select_n3A_808 : vector<16xf32>
    %lt3A_861 = arith.cmpi slt, %select_n3A_837, %select_n3A_809 : vector<16xi32>
    %and3A_862 = arith.andi %eq3A_860, %lt3A_861 : vector<16xi1>
    %or3A_863 = arith.ori %gt3A_859, %and3A_862 : vector<16xi1>
    %select_n3A_864 = arith.select %or3A_863, %select_n3A_836, %select_n3A_808 : vector<16xi1>, vector<16xf32>
    %select_n3A_865 = arith.select %or3A_863, %select_n3A_837, %select_n3A_809 : vector<16xi1>, vector<16xi32>
    %gt3A_866 = arith.cmpf ogt, %select_n3A_843, %select_n3A_815 : vector<16xf32>
    %eq3A_867 = arith.cmpf oeq, %select_n3A_843, %select_n3A_815 : vector<16xf32>
    %lt3A_868 = arith.cmpi slt, %select_n3A_844, %select_n3A_816 : vector<16xi32>
    %and3A_869 = arith.andi %eq3A_867, %lt3A_868 : vector<16xi1>
    %or3A_870 = arith.ori %gt3A_866, %and3A_869 : vector<16xi1>
    %select_n3A_871 = arith.select %or3A_870, %select_n3A_843, %select_n3A_815 : vector<16xi1>, vector<16xf32>
    %select_n3A_872 = arith.select %or3A_870, %select_n3A_844, %select_n3A_816 : vector<16xi1>, vector<16xi32>
    %gt3A_873 = arith.cmpf ogt, %select_n3A_850, %select_n3A_822 : vector<16xf32>
    %eq3A_874 = arith.cmpf oeq, %select_n3A_850, %select_n3A_822 : vector<16xf32>
    %lt3A_875 = arith.cmpi slt, %select_n3A_851, %select_n3A_823 : vector<16xi32>
    %and3A_876 = arith.andi %eq3A_874, %lt3A_875 : vector<16xi1>
    %or3A_877 = arith.ori %gt3A_873, %and3A_876 : vector<16xi1>
    %select_n3A_878 = arith.select %or3A_877, %select_n3A_850, %select_n3A_822 : vector<16xi1>, vector<16xf32>
    %select_n3A_879 = arith.select %or3A_877, %select_n3A_851, %select_n3A_823 : vector<16xi1>, vector<16xi32>
    %gt3A_880 = arith.cmpf ogt, %select_n3A_857, %select_n3A_829 : vector<16xf32>
    %eq3A_881 = arith.cmpf oeq, %select_n3A_857, %select_n3A_829 : vector<16xf32>
    %lt3A_882 = arith.cmpi slt, %select_n3A_858, %select_n3A_830 : vector<16xi32>
    %and3A_883 = arith.andi %eq3A_881, %lt3A_882 : vector<16xi1>
    %or3A_884 = arith.ori %gt3A_880, %and3A_883 : vector<16xi1>
    %select_n3A_885 = arith.select %or3A_884, %select_n3A_857, %select_n3A_829 : vector<16xi1>, vector<16xf32>
    %select_n3A_886 = arith.select %or3A_884, %select_n3A_858, %select_n3A_830 : vector<16xi1>, vector<16xi32>
    %gt3A_887 = arith.cmpf ogt, %select_n3A_878, %select_n3A_864 : vector<16xf32>
    %eq3A_888 = arith.cmpf oeq, %select_n3A_878, %select_n3A_864 : vector<16xf32>
    %lt3A_889 = arith.cmpi slt, %select_n3A_879, %select_n3A_865 : vector<16xi32>
    %and3A_890 = arith.andi %eq3A_888, %lt3A_889 : vector<16xi1>
    %or3A_891 = arith.ori %gt3A_887, %and3A_890 : vector<16xi1>
    %select_n3A_892 = arith.select %or3A_891, %select_n3A_878, %select_n3A_864 : vector<16xi1>, vector<16xf32>
    %select_n3A_893 = arith.select %or3A_891, %select_n3A_879, %select_n3A_865 : vector<16xi1>, vector<16xi32>
    %gt3A_894 = arith.cmpf ogt, %select_n3A_885, %select_n3A_871 : vector<16xf32>
    %eq3A_895 = arith.cmpf oeq, %select_n3A_885, %select_n3A_871 : vector<16xf32>
    %lt3A_896 = arith.cmpi slt, %select_n3A_886, %select_n3A_872 : vector<16xi32>
    %and3A_897 = arith.andi %eq3A_895, %lt3A_896 : vector<16xi1>
    %or3A_898 = arith.ori %gt3A_894, %and3A_897 : vector<16xi1>
    %select_n3A_899 = arith.select %or3A_898, %select_n3A_885, %select_n3A_871 : vector<16xi1>, vector<16xf32>
    %select_n3A_900 = arith.select %or3A_898, %select_n3A_886, %select_n3A_872 : vector<16xi1>, vector<16xi32>
    %gt3A_901 = arith.cmpf ogt, %select_n3A_899, %select_n3A_892 : vector<16xf32>
    %eq3A_902 = arith.cmpf oeq, %select_n3A_899, %select_n3A_892 : vector<16xf32>
    %lt3A_903 = arith.cmpi slt, %select_n3A_900, %select_n3A_893 : vector<16xi32>
    %and3A_904 = arith.andi %eq3A_902, %lt3A_903 : vector<16xi1>
    %or3A_905 = arith.ori %gt3A_901, %and3A_904 : vector<16xi1>
    %select_n3A_906 = arith.select %or3A_905, %select_n3A_899, %select_n3A_892 : vector<16xi1>, vector<16xf32>
    %select_n3A_907 = arith.select %or3A_905, %select_n3A_900, %select_n3A_893 : vector<16xi1>, vector<16xi32>
    %slice3A_908 = vector.extract_strided_slice %select_n3A_906 {offsets = [0], sizes = [1], strides = [1]} : vector<16xf32> to vector<1xf32>
    %squeeze3A_909 = vector.extract %slice3A_908[0] : f32 from vector<1xf32>
    %slice3A_910 = vector.extract_strided_slice %select_n3A_907 {offsets = [0], sizes = [1], strides = [1]} : vector<16xi32> to vector<1xi32>
    %squeeze3A_911 = vector.extract %slice3A_910[0] : i32 from vector<1xi32>
    %slice3A_912 = vector.extract_strided_slice %select_n3A_906 {offsets = [1], sizes = [1], strides = [1]} : vector<16xf32> to vector<1xf32>
    %squeeze3A_913 = vector.extract %slice3A_912[0] : f32 from vector<1xf32>
    %slice3A_914 = vector.extract_strided_slice %select_n3A_907 {offsets = [1], sizes = [1], strides = [1]} : vector<16xi32> to vector<1xi32>
    %squeeze3A_915 = vector.extract %slice3A_914[0] : i32 from vector<1xi32>
    %gt3A_916 = arith.cmpf ogt, %squeeze3A_913, %squeeze3A_909 : f32
    %eq3A_917 = arith.cmpf oeq, %squeeze3A_913, %squeeze3A_909 : f32
    %lt3A_918 = arith.cmpi slt, %squeeze3A_915, %squeeze3A_911 : i32
    %and3A_919 = arith.andi %eq3A_917, %lt3A_918 : i1
    %or3A_920 = arith.ori %gt3A_916, %and3A_919 : i1
    %select_n3A_921 = arith.select %or3A_920, %squeeze3A_913, %squeeze3A_909 : f32
    %select_n3A_922 = arith.select %or3A_920, %squeeze3A_915, %squeeze3A_911 : i32
    %slice3A_923 = vector.extract_strided_slice %select_n3A_906 {offsets = [2], sizes = [1], strides = [1]} : vector<16xf32> to vector<1xf32>
    %squeeze3A_924 = vector.extract %slice3A_923[0] : f32 from vector<1xf32>
    %slice3A_925 = vector.extract_strided_slice %select_n3A_907 {offsets = [2], sizes = [1], strides = [1]} : vector<16xi32> to vector<1xi32>
    %squeeze3A_926 = vector.extract %slice3A_925[0] : i32 from vector<1xi32>
    %gt3A_927 = arith.cmpf ogt, %squeeze3A_924, %select_n3A_921 : f32
    %eq3A_928 = arith.cmpf oeq, %squeeze3A_924, %select_n3A_921 : f32
    %lt3A_929 = arith.cmpi slt, %squeeze3A_926, %select_n3A_922 : i32
    %and3A_930 = arith.andi %eq3A_928, %lt3A_929 : i1
    %or3A_931 = arith.ori %gt3A_927, %and3A_930 : i1
    %select_n3A_932 = arith.select %or3A_931, %squeeze3A_924, %select_n3A_921 : f32
    %select_n3A_933 = arith.select %or3A_931, %squeeze3A_926, %select_n3A_922 : i32
    %slice3A_934 = vector.extract_strided_slice %select_n3A_906 {offsets = [3], sizes = [1], strides = [1]} : vector<16xf32> to vector<1xf32>
    %squeeze3A_935 = vector.extract %slice3A_934[0] : f32 from vector<1xf32>
    %slice3A_936 = vector.extract_strided_slice %select_n3A_907 {offsets = [3], sizes = [1], strides = [1]} : vector<16xi32> to vector<1xi32>
    %squeeze3A_937 = vector.extract %slice3A_936[0] : i32 from vector<1xi32>
    %gt3A_938 = arith.cmpf ogt, %squeeze3A_935, %select_n3A_932 : f32
    %eq3A_939 = arith.cmpf oeq, %squeeze3A_935, %select_n3A_932 : f32
    %lt3A_940 = arith.cmpi slt, %squeeze3A_937, %select_n3A_933 : i32
    %and3A_941 = arith.andi %eq3A_939, %lt3A_940 : i1
    %or3A_942 = arith.ori %gt3A_938, %and3A_941 : i1
    %select_n3A_943 = arith.select %or3A_942, %squeeze3A_935, %select_n3A_932 : f32
    %select_n3A_944 = arith.select %or3A_942, %squeeze3A_937, %select_n3A_933 : i32
    %slice3A_945 = vector.extract_strided_slice %select_n3A_906 {offsets = [4], sizes = [1], strides = [1]} : vector<16xf32> to vector<1xf32>
    %squeeze3A_946 = vector.extract %slice3A_945[0] : f32 from vector<1xf32>
    %slice3A_947 = vector.extract_strided_slice %select_n3A_907 {offsets = [4], sizes = [1], strides = [1]} : vector<16xi32> to vector<1xi32>
    %squeeze3A_948 = vector.extract %slice3A_947[0] : i32 from vector<1xi32>
    %gt3A_949 = arith.cmpf ogt, %squeeze3A_946, %select_n3A_943 : f32
    %eq3A_950 = arith.cmpf oeq, %squeeze3A_946, %select_n3A_943 : f32
    %lt3A_951 = arith.cmpi slt, %squeeze3A_948, %select_n3A_944 : i32
    %and3A_952 = arith.andi %eq3A_950, %lt3A_951 : i1
    %or3A_953 = arith.ori %gt3A_949, %and3A_952 : i1
    %select_n3A_954 = arith.select %or3A_953, %squeeze3A_946, %select_n3A_943 : f32
    %select_n3A_955 = arith.select %or3A_953, %squeeze3A_948, %select_n3A_944 : i32
    %slice3A_956 = vector.extract_strided_slice %select_n3A_906 {offsets = [5], sizes = [1], strides = [1]} : vector<16xf32> to vector<1xf32>
    %squeeze3A_957 = vector.extract %slice3A_956[0] : f32 from vector<1xf32>
    %slice3A_958 = vector.extract_strided_slice %select_n3A_907 {offsets = [5], sizes = [1], strides = [1]} : vector<16xi32> to vector<1xi32>
    %squeeze3A_959 = vector.extract %slice3A_958[0] : i32 from vector<1xi32>
    %gt3A_960 = arith.cmpf ogt, %squeeze3A_957, %select_n3A_954 : f32
    %eq3A_961 = arith.cmpf oeq, %squeeze3A_957, %select_n3A_954 : f32
    %lt3A_962 = arith.cmpi slt, %squeeze3A_959, %select_n3A_955 : i32
    %and3A_963 = arith.andi %eq3A_961, %lt3A_962 : i1
    %or3A_964 = arith.ori %gt3A_960, %and3A_963 : i1
    %select_n3A_965 = arith.select %or3A_964, %squeeze3A_957, %select_n3A_954 : f32
    %select_n3A_966 = arith.select %or3A_964, %squeeze3A_959, %select_n3A_955 : i32
    %slice3A_967 = vector.extract_strided_slice %select_n3A_906 {offsets = [6], sizes = [1], strides = [1]} : vector<16xf32> to vector<1xf32>
    %squeeze3A_968 = vector.extract %slice3A_967[0] : f32 from vector<1xf32>
    %slice3A_969 = vector.extract_strided_slice %select_n3A_907 {offsets = [6], sizes = [1], strides = [1]} : vector<16xi32> to vector<1xi32>
    %squeeze3A_970 = vector.extract %slice3A_969[0] : i32 from vector<1xi32>
    %gt3A_971 = arith.cmpf ogt, %squeeze3A_968, %select_n3A_965 : f32
    %eq3A_972 = arith.cmpf oeq, %squeeze3A_968, %select_n3A_965 : f32
    %lt3A_973 = arith.cmpi slt, %squeeze3A_970, %select_n3A_966 : i32
    %and3A_974 = arith.andi %eq3A_972, %lt3A_973 : i1
    %or3A_975 = arith.ori %gt3A_971, %and3A_974 : i1
    %select_n3A_976 = arith.select %or3A_975, %squeeze3A_968, %select_n3A_965 : f32
    %select_n3A_977 = arith.select %or3A_975, %squeeze3A_970, %select_n3A_966 : i32
    %slice3A_978 = vector.extract_strided_slice %select_n3A_906 {offsets = [7], sizes = [1], strides = [1]} : vector<16xf32> to vector<1xf32>
    %squeeze3A_979 = vector.extract %slice3A_978[0] : f32 from vector<1xf32>
    %slice3A_980 = vector.extract_strided_slice %select_n3A_907 {offsets = [7], sizes = [1], strides = [1]} : vector<16xi32> to vector<1xi32>
    %squeeze3A_981 = vector.extract %slice3A_980[0] : i32 from vector<1xi32>
    %gt3A_982 = arith.cmpf ogt, %squeeze3A_979, %select_n3A_976 : f32
    %eq3A_983 = arith.cmpf oeq, %squeeze3A_979, %select_n3A_976 : f32
    %lt3A_984 = arith.cmpi slt, %squeeze3A_981, %select_n3A_977 : i32
    %and3A_985 = arith.andi %eq3A_983, %lt3A_984 : i1
    %or3A_986 = arith.ori %gt3A_982, %and3A_985 : i1
    %select_n3A_987 = arith.select %or3A_986, %squeeze3A_979, %select_n3A_976 : f32
    %select_n3A_988 = arith.select %or3A_986, %squeeze3A_981, %select_n3A_977 : i32
    %slice3A_989 = vector.extract_strided_slice %select_n3A_906 {offsets = [8], sizes = [1], strides = [1]} : vector<16xf32> to vector<1xf32>
    %squeeze3A_990 = vector.extract %slice3A_989[0] : f32 from vector<1xf32>
    %slice3A_991 = vector.extract_strided_slice %select_n3A_907 {offsets = [8], sizes = [1], strides = [1]} : vector<16xi32> to vector<1xi32>
    %squeeze3A_992 = vector.extract %slice3A_991[0] : i32 from vector<1xi32>
    %gt3A_993 = arith.cmpf ogt, %squeeze3A_990, %select_n3A_987 : f32
    %eq3A_994 = arith.cmpf oeq, %squeeze3A_990, %select_n3A_987 : f32
    %lt3A_995 = arith.cmpi slt, %squeeze3A_992, %select_n3A_988 : i32
    %and3A_996 = arith.andi %eq3A_994, %lt3A_995 : i1
    %or3A_997 = arith.ori %gt3A_993, %and3A_996 : i1
    %select_n3A_998 = arith.select %or3A_997, %squeeze3A_990, %select_n3A_987 : f32
    %select_n3A_999 = arith.select %or3A_997, %squeeze3A_992, %select_n3A_988 : i32
    %slice3A_1000 = vector.extract_strided_slice %select_n3A_906 {offsets = [9], sizes = [1], strides = [1]} : vector<16xf32> to vector<1xf32>
    %squeeze3A_1001 = vector.extract %slice3A_1000[0] : f32 from vector<1xf32>
    %slice3A_1002 = vector.extract_strided_slice %select_n3A_907 {offsets = [9], sizes = [1], strides = [1]} : vector<16xi32> to vector<1xi32>
    %squeeze3A_1003 = vector.extract %slice3A_1002[0] : i32 from vector<1xi32>
    %gt3A_1004 = arith.cmpf ogt, %squeeze3A_1001, %select_n3A_998 : f32
    %eq3A_1005 = arith.cmpf oeq, %squeeze3A_1001, %select_n3A_998 : f32
    %lt3A_1006 = arith.cmpi slt, %squeeze3A_1003, %select_n3A_999 : i32
    %and3A_1007 = arith.andi %eq3A_1005, %lt3A_1006 : i1
    %or3A_1008 = arith.ori %gt3A_1004, %and3A_1007 : i1
    %select_n3A_1009 = arith.select %or3A_1008, %squeeze3A_1001, %select_n3A_998 : f32
    %select_n3A_1010 = arith.select %or3A_1008, %squeeze3A_1003, %select_n3A_999 : i32
    %slice3A_1011 = vector.extract_strided_slice %select_n3A_906 {offsets = [10], sizes = [1], strides = [1]} : vector<16xf32> to vector<1xf32>
    %squeeze3A_1012 = vector.extract %slice3A_1011[0] : f32 from vector<1xf32>
    %slice3A_1013 = vector.extract_strided_slice %select_n3A_907 {offsets = [10], sizes = [1], strides = [1]} : vector<16xi32> to vector<1xi32>
    %squeeze3A_1014 = vector.extract %slice3A_1013[0] : i32 from vector<1xi32>
    %gt3A_1015 = arith.cmpf ogt, %squeeze3A_1012, %select_n3A_1009 : f32
    %eq3A_1016 = arith.cmpf oeq, %squeeze3A_1012, %select_n3A_1009 : f32
    %lt3A_1017 = arith.cmpi slt, %squeeze3A_1014, %select_n3A_1010 : i32
    %and3A_1018 = arith.andi %eq3A_1016, %lt3A_1017 : i1
    %or3A_1019 = arith.ori %gt3A_1015, %and3A_1018 : i1
    %select_n3A_1020 = arith.select %or3A_1019, %squeeze3A_1012, %select_n3A_1009 : f32
    %select_n3A_1021 = arith.select %or3A_1019, %squeeze3A_1014, %select_n3A_1010 : i32
    %slice3A_1022 = vector.extract_strided_slice %select_n3A_906 {offsets = [11], sizes = [1], strides = [1]} : vector<16xf32> to vector<1xf32>
    %squeeze3A_1023 = vector.extract %slice3A_1022[0] : f32 from vector<1xf32>
    %slice3A_1024 = vector.extract_strided_slice %select_n3A_907 {offsets = [11], sizes = [1], strides = [1]} : vector<16xi32> to vector<1xi32>
    %squeeze3A_1025 = vector.extract %slice3A_1024[0] : i32 from vector<1xi32>
    %gt3A_1026 = arith.cmpf ogt, %squeeze3A_1023, %select_n3A_1020 : f32
    %eq3A_1027 = arith.cmpf oeq, %squeeze3A_1023, %select_n3A_1020 : f32
    %lt3A_1028 = arith.cmpi slt, %squeeze3A_1025, %select_n3A_1021 : i32
    %and3A_1029 = arith.andi %eq3A_1027, %lt3A_1028 : i1
    %or3A_1030 = arith.ori %gt3A_1026, %and3A_1029 : i1
    %select_n3A_1031 = arith.select %or3A_1030, %squeeze3A_1023, %select_n3A_1020 : f32
    %select_n3A_1032 = arith.select %or3A_1030, %squeeze3A_1025, %select_n3A_1021 : i32
    %slice3A_1033 = vector.extract_strided_slice %select_n3A_906 {offsets = [12], sizes = [1], strides = [1]} : vector<16xf32> to vector<1xf32>
    %squeeze3A_1034 = vector.extract %slice3A_1033[0] : f32 from vector<1xf32>
    %slice3A_1035 = vector.extract_strided_slice %select_n3A_907 {offsets = [12], sizes = [1], strides = [1]} : vector<16xi32> to vector<1xi32>
    %squeeze3A_1036 = vector.extract %slice3A_1035[0] : i32 from vector<1xi32>
    %gt3A_1037 = arith.cmpf ogt, %squeeze3A_1034, %select_n3A_1031 : f32
    %eq3A_1038 = arith.cmpf oeq, %squeeze3A_1034, %select_n3A_1031 : f32
    %lt3A_1039 = arith.cmpi slt, %squeeze3A_1036, %select_n3A_1032 : i32
    %and3A_1040 = arith.andi %eq3A_1038, %lt3A_1039 : i1
    %or3A_1041 = arith.ori %gt3A_1037, %and3A_1040 : i1
    %select_n3A_1042 = arith.select %or3A_1041, %squeeze3A_1034, %select_n3A_1031 : f32
    %select_n3A_1043 = arith.select %or3A_1041, %squeeze3A_1036, %select_n3A_1032 : i32
    %slice3A_1044 = vector.extract_strided_slice %select_n3A_906 {offsets = [13], sizes = [1], strides = [1]} : vector<16xf32> to vector<1xf32>
    %squeeze3A_1045 = vector.extract %slice3A_1044[0] : f32 from vector<1xf32>
    %slice3A_1046 = vector.extract_strided_slice %select_n3A_907 {offsets = [13], sizes = [1], strides = [1]} : vector<16xi32> to vector<1xi32>
    %squeeze3A_1047 = vector.extract %slice3A_1046[0] : i32 from vector<1xi32>
    %gt3A_1048 = arith.cmpf ogt, %squeeze3A_1045, %select_n3A_1042 : f32
    %eq3A_1049 = arith.cmpf oeq, %squeeze3A_1045, %select_n3A_1042 : f32
    %lt3A_1050 = arith.cmpi slt, %squeeze3A_1047, %select_n3A_1043 : i32
    %and3A_1051 = arith.andi %eq3A_1049, %lt3A_1050 : i1
    %or3A_1052 = arith.ori %gt3A_1048, %and3A_1051 : i1
    %select_n3A_1053 = arith.select %or3A_1052, %squeeze3A_1045, %select_n3A_1042 : f32
    %select_n3A_1054 = arith.select %or3A_1052, %squeeze3A_1047, %select_n3A_1043 : i32
    %slice3A_1055 = vector.extract_strided_slice %select_n3A_906 {offsets = [14], sizes = [1], strides = [1]} : vector<16xf32> to vector<1xf32>
    %squeeze3A_1056 = vector.extract %slice3A_1055[0] : f32 from vector<1xf32>
    %slice3A_1057 = vector.extract_strided_slice %select_n3A_907 {offsets = [14], sizes = [1], strides = [1]} : vector<16xi32> to vector<1xi32>
    %squeeze3A_1058 = vector.extract %slice3A_1057[0] : i32 from vector<1xi32>
    %gt3A_1059 = arith.cmpf ogt, %squeeze3A_1056, %select_n3A_1053 : f32
    %eq3A_1060 = arith.cmpf oeq, %squeeze3A_1056, %select_n3A_1053 : f32
    %lt3A_1061 = arith.cmpi slt, %squeeze3A_1058, %select_n3A_1054 : i32
    %and3A_1062 = arith.andi %eq3A_1060, %lt3A_1061 : i1
    %or3A_1063 = arith.ori %gt3A_1059, %and3A_1062 : i1
    %select_n3A_1064 = arith.select %or3A_1063, %squeeze3A_1056, %select_n3A_1053 : f32
    %select_n3A_1065 = arith.select %or3A_1063, %squeeze3A_1058, %select_n3A_1054 : i32
    %slice3A_1066 = vector.extract_strided_slice %select_n3A_906 {offsets = [15], sizes = [1], strides = [1]} : vector<16xf32> to vector<1xf32>
    %squeeze3A_1067 = vector.extract %slice3A_1066[0] : f32 from vector<1xf32>
    %slice3A_1068 = vector.extract_strided_slice %select_n3A_907 {offsets = [15], sizes = [1], strides = [1]} : vector<16xi32> to vector<1xi32>
    %squeeze3A_1069 = vector.extract %slice3A_1068[0] : i32 from vector<1xi32>
    %gt3A_1070 = arith.cmpf ogt, %squeeze3A_1067, %select_n3A_1064 : f32
    %eq3A_1071 = arith.cmpf oeq, %squeeze3A_1067, %select_n3A_1064 : f32
    %lt3A_1072 = arith.cmpi slt, %squeeze3A_1069, %select_n3A_1065 : i32
    %and3A_1073 = arith.andi %eq3A_1071, %lt3A_1072 : i1
    %or3A_1074 = arith.ori %gt3A_1070, %and3A_1073 : i1
    %select_n3A_1075 = arith.select %or3A_1074, %squeeze3A_1067, %select_n3A_1064 : f32
    %select_n3A_1076 = arith.select %or3A_1074, %squeeze3A_1069, %select_n3A_1065 : i32
    %dma_wait3A_1077 = arith.constant 0 : i32
    %dma_wait3A_1078 = tpu.memref_slice %arg3[%mul3A_2, %dma_wait3A_1077] : memref<64x32768xf32, #tpu.memory_space<hbm>> -> memref<1x32768xf32, #tpu.memory_space<hbm>>
    %dma_wait3A_1079 = tpu.memref_squeeze %dma_wait3A_1078 : memref<1x32768xf32, #tpu.memory_space<hbm>> -> memref<32768xf32, #tpu.memory_space<hbm>>
    %dma_wait3A_1080 = arith.constant 0 : i32
    %dma_wait3A_1081 = tpu.memref_slice %arg3[%mul3A_2, %dma_wait3A_1080] : memref<64x32768xf32, #tpu.memory_space<hbm>> -> memref<1x32768xf32, #tpu.memory_space<hbm>>
    %dma_wait3A_1082 = tpu.memref_squeeze %dma_wait3A_1081 : memref<1x32768xf32, #tpu.memory_space<hbm>> -> memref<32768xf32, #tpu.memory_space<hbm>>
    tpu.wait_dma2 semaphore(%arg9 : memref<!tpu.dma_semaphore, #tpu.memory_space<semaphore_mem>>) src(%arg6 : memref<32768xf32, #tpu.memory_space<vmem>>) dst(%dma_wait3A_1082 : memref<32768xf32, #tpu.memory_space<hbm>>)
    %iota3A_1083 = tpu.iota {dimensions = array<i32: 0>} : vector<16xi32>
    %jit3A_1084 = arith.constant 16 : i32
    %div3A_1085 = arith.divsi %select_n3A_525, %jit3A_1084 : i32
    %sign3A_1086 = arith.constant 0 : i32
    %sign3A_1087 = arith.cmpi sgt, %select_n3A_525, %sign3A_1086 : i32
    %sign3A_1088 = arith.extui %sign3A_1087 : i1 to i32
    %sign3A_1089 = arith.constant 0 : i32
    %sign3A_1090 = arith.cmpi slt, %select_n3A_525, %sign3A_1089 : i32
    %sign3A_1091 = arith.extui %sign3A_1090 : i1 to i32
    %sign3A_1092 = arith.subi %sign3A_1088, %sign3A_1091 : i32
    %sign3A_1093 = arith.constant 0 : i32
    %sign3A_1094 = arith.cmpi sgt, %jit3A_1084, %sign3A_1093 : i32
    %sign3A_1095 = arith.extui %sign3A_1094 : i1 to i32
    %sign3A_1096 = arith.constant 0 : i32
    %sign3A_1097 = arith.cmpi slt, %jit3A_1084, %sign3A_1096 : i32
    %sign3A_1098 = arith.extui %sign3A_1097 : i1 to i32
    %sign3A_1099 = arith.subi %sign3A_1095, %sign3A_1098 : i32
    %ne3A_1100 = arith.cmpi ne, %sign3A_1092, %sign3A_1099 : i32
    %rem3A_1101 = arith.remsi %select_n3A_525, %jit3A_1084 : i32
    %ne3A_1102 = arith.constant 0 : i32
    %ne3A_1103 = arith.cmpi ne, %rem3A_1101, %ne3A_1102 : i32
    %and3A_1104 = arith.andi %ne3A_1100, %ne3A_1103 : i1
    %sub3A_1105 = arith.constant 1 : i32
    %sub3A_1106 = arith.subi %div3A_1085, %sub3A_1105 : i32
    %select_n3A_1107 = arith.select %and3A_1104, %sub3A_1106, %div3A_1085 : i32
    %mul3A_1108 = arith.constant 16 : i32
    %mul3A_1109 = arith.muli %select_n3A_1107, %mul3A_1108 : i32
    %sub3A_1110 = arith.subi %select_n3A_525, %mul3A_1109 : i32
    %eq3A_1111 = vector.broadcast %sub3A_1110 : i32 to vector<16xi32>
    %eq3A_1112 = arith.cmpi eq, %iota3A_1083, %eq3A_1111 : vector<16xi32>
    %jit3A_1113 = arith.constant 0.000000e+00 : f32
    %jit3A_1114 = arith.constant 0.000000e+00 : f32
    %broadcast_in_dim3A_1115 = vector.broadcast %jit3A_1113 : f32 to vector<16xf32>
    %broadcast_in_dim3A_1116 = vector.broadcast %jit3A_1114 : f32 to vector<16xf32>
    %select_n3A_1117 = arith.select %eq3A_1112, %broadcast_in_dim3A_1115, %broadcast_in_dim3A_1116 : vector<16xi1>, vector<16xf32>
    %swap3A_1118 = arith.index_cast %mul3A_1109 : i32 to index
    %swap3A_1119 = tpu.vector_load %arg6[%swap3A_1118] {strides = array<i32>} : memref<32768xf32, #tpu.memory_space<vmem>>, vector<16xf32>,
    %swap3A_1120 = vector.shape_cast %swap3A_1119 : vector<16xf32> to vector<16xf32>
    %swap3A_1121 = vector.shape_cast %select_n3A_1117 : vector<16xf32> to vector<16xf32>
    tpu.vector_store %arg6[%swap3A_1118], %swap3A_1121 {strides = array<i32>} : memref<32768xf32, #tpu.memory_space<vmem>>, vector<16xf32>,
    %iota3A_1122 = tpu.iota {dimensions = array<i32: 0>} : vector<16xi32>
    %jit3A_1123 = arith.constant 16 : i32
    %div3A_1124 = arith.divsi %select_n3A_1076, %jit3A_1123 : i32
    %sign3A_1125 = arith.constant 0 : i32
    %sign3A_1126 = arith.cmpi sgt, %select_n3A_1076, %sign3A_1125 : i32
    %sign3A_1127 = arith.extui %sign3A_1126 : i1 to i32
    %sign3A_1128 = arith.constant 0 : i32
    %sign3A_1129 = arith.cmpi slt, %select_n3A_1076, %sign3A_1128 : i32
    %sign3A_1130 = arith.extui %sign3A_1129 : i1 to i32
    %sign3A_1131 = arith.subi %sign3A_1127, %sign3A_1130 : i32
    %sign3A_1132 = arith.constant 0 : i32
    %sign3A_1133 = arith.cmpi sgt, %jit3A_1123, %sign3A_1132 : i32
    %sign3A_1134 = arith.extui %sign3A_1133 : i1 to i32
    %sign3A_1135 = arith.constant 0 : i32
    %sign3A_1136 = arith.cmpi slt, %jit3A_1123, %sign3A_1135 : i32
    %sign3A_1137 = arith.extui %sign3A_1136 : i1 to i32
    %sign3A_1138 = arith.subi %sign3A_1134, %sign3A_1137 : i32
    %ne3A_1139 = arith.cmpi ne, %sign3A_1131, %sign3A_1138 : i32
    %rem3A_1140 = arith.remsi %select_n3A_1076, %jit3A_1123 : i32
    %ne3A_1141 = arith.constant 0 : i32
    %ne3A_1142 = arith.cmpi ne, %rem3A_1140, %ne3A_1141 : i32
    %and3A_1143 = arith.andi %ne3A_1139, %ne3A_1142 : i1
    %sub3A_1144 = arith.constant 1 : i32
    %sub3A_1145 = arith.subi %div3A_1124, %sub3A_1144 : i32
    %select_n3A_1146 = arith.select %and3A_1143, %sub3A_1145, %div3A_1124 : i32
    %mul3A_1147 = arith.constant 16 : i32
    %mul3A_1148 = arith.muli %select_n3A_1146, %mul3A_1147 : i32
    %sub3A_1149 = arith.subi %select_n3A_1076, %mul3A_1148 : i32
    %eq3A_1150 = vector.broadcast %sub3A_1149 : i32 to vector<16xi32>
    %eq3A_1151 = arith.cmpi eq, %iota3A_1122, %eq3A_1150 : vector<16xi32>
    %jit3A_1152 = arith.constant 1.000000e+00 : f32
    %jit3A_1153 = arith.constant 0.000000e+00 : f32
    %broadcast_in_dim3A_1154 = vector.broadcast %jit3A_1152 : f32 to vector<16xf32>
    %broadcast_in_dim3A_1155 = vector.broadcast %jit3A_1153 : f32 to vector<16xf32>
    %select_n3A_1156 = arith.select %eq3A_1151, %broadcast_in_dim3A_1154, %broadcast_in_dim3A_1155 : vector<16xi1>, vector<16xf32>
    %swap3A_1157 = arith.index_cast %mul3A_1148 : i32 to index
    %swap3A_1158 = tpu.vector_load %arg6[%swap3A_1157] {strides = array<i32>} : memref<32768xf32, #tpu.memory_space<vmem>>, vector<16xf32>,
    %swap3A_1159 = vector.shape_cast %swap3A_1158 : vector<16xf32> to vector<16xf32>
    %swap3A_1160 = vector.shape_cast %select_n3A_1156 : vector<16xf32> to vector<16xf32>
    tpu.vector_store %arg6[%swap3A_1157], %swap3A_1160 {strides = array<i32>} : memref<32768xf32, #tpu.memory_space<vmem>>, vector<16xf32>,
    %add3A_1161 = arith.constant 1 : i32
    %add3A_1162 = arith.addi %mul3A_2, %add3A_1161 : i32
    "tpu.region"() ({
      %run_scoped3A = tpu.sem_alloc : memref<!tpu.dma_semaphore, #tpu.memory_space<semaphore_mem>>
      %dma_start3A_1163 = arith.constant 0 : i32
      %dma_start3A_1164 = tpu.memref_slice %arg3[%add3A_1162, %dma_start3A_1163] : memref<64x32768xf32, #tpu.memory_space<hbm>> -> memref<1x32768xf32, #tpu.memory_space<hbm>>
      %dma_start3A_1165 = tpu.memref_squeeze %dma_start3A_1164 : memref<1x32768xf32, #tpu.memory_space<hbm>> -> memref<32768xf32, #tpu.memory_space<hbm>>
      %dma_start3A_1166 = arith.constant 0 : i32
      %dma_start3A_1167 = tpu.memref_slice %arg3[%add3A_1162, %dma_start3A_1166] : memref<64x32768xf32, #tpu.memory_space<hbm>> -> memref<1x32768xf32, #tpu.memory_space<hbm>>
      %dma_start3A_1168 = tpu.memref_squeeze %dma_start3A_1167 : memref<1x32768xf32, #tpu.memory_space<hbm>> -> memref<32768xf32, #tpu.memory_space<hbm>>
      tpu.enqueue_dma source(%arg6 : memref<32768xf32, #tpu.memory_space<vmem>>) target(%dma_start3A_1168 : memref<32768xf32, #tpu.memory_space<hbm>>) target_semaphore(%run_scoped3A : memref<!tpu.dma_semaphore, #tpu.memory_space<semaphore_mem>>)
      %dma_wait3A_1169 = arith.constant 0 : i32
      %dma_wait3A_1170 = tpu.memref_slice %arg3[%add3A_1162, %dma_wait3A_1169] : memref<64x32768xf32, #tpu.memory_space<hbm>> -> memref<1x32768xf32, #tpu.memory_space<hbm>>
      %dma_wait3A_1171 = tpu.memref_squeeze %dma_wait3A_1170 : memref<1x32768xf32, #tpu.memory_space<hbm>> -> memref<32768xf32, #tpu.memory_space<hbm>>
      %dma_wait3A_1172 = arith.constant 0 : i32
      %dma_wait3A_1173 = tpu.memref_slice %arg3[%add3A_1162, %dma_wait3A_1172] : memref<64x32768xf32, #tpu.memory_space<hbm>> -> memref<1x32768xf32, #tpu.memory_space<hbm>>
      %dma_wait3A_1174 = tpu.memref_squeeze %dma_wait3A_1173 : memref<1x32768xf32, #tpu.memory_space<hbm>> -> memref<32768xf32, #tpu.memory_space<hbm>>
      tpu.wait_dma2 semaphore(%run_scoped3A : memref<!tpu.dma_semaphore, #tpu.memory_space<semaphore_mem>>) src(%arg6 : memref<32768xf32, #tpu.memory_space<vmem>>) dst(%dma_wait3A_1174 : memref<32768xf32, #tpu.memory_space<hbm>>)
      tpu.yield
    }) : () -> ()
    return
  }
}

</mosaic_0001>

<sc_bundles>
// kernel: kernel.3.cloned.1.call-start
scs
__scs_entry_jumppad:
0x0: {  	(pc) =	sbr.rel $0x88, $3  }
0x1: {  	(tag) =	ssettag $0x0;
	lr =	simm.s32 $0x1  }
0x2: {  	[smem:$0x3FA0] =	sst lr;
	_ =	strace $0xD0000000  }
0x3: {  	_ = 	snop  }
0x4: {  	_ = 	snop  }
0x5: {  	_ = 	snop  }
0x6: {  	_ = 	snop  }
0x7: {  	_ = 	snop  }
__scs_overlays_trampoline_lowered:
0x8: {  	[smem:$0x3FAF] =	sst s0  }
0x9: {  	[smem:$0x3FB0] =	sst s1  }
0xa: {  	[smem:$0x3FB1] =	sst s2  }
0xb: {  	[smem:$0x3FB2] =	sst s3  }
0xc: {  	[smem:$0x3FB3] =	sst s4  }
0xd: {  	[smem:$0x3FB4] =	sst s5  }
0xe: {  	[smem:$0x3FB5] =	sst s6  }
0xf: {  	[smem:$0x3FB6] =	sst s7  }
0x10: {  	[smem:$0x3FB7] =	sst s8  }
0x11: {  	[smem:$0x3FB8] =	sst s9;
	s0 =	simm.s32 @!p0 $0x0  }
0x12: {  	s1 =	sld [smem:$0x3F9E];
	s0 =	simm.s32 @p0 $0x1  }
0x13: {  	[smem:$0x3FB9] =	sst s0;
	s0 =	simm.s32 @!p1 $0x0  }
0x14: {  	s2 =	sld [smem:$0x3F9D];
	s0 =	simm.s32 @p1 $0x1  }
0x15: {  	[smem:$0x3FBA] =	sst s0;
	s0 =	simm.s32 @!p2 $0x0  }
0x16: {  	s3 =	sld [smem:$0x3FDB];
	s0 =	simm.s32 @p2 $0x1  }
0x17: {  	s4 =	simm.s32 $0x1BF5;
	[smem:$0x3FBC] =	sst s0  }
0x18: {  	s0 =	sld [smem:$0x3F9F];
	_ =	swait.ge [sflag:s4], $0x0  }
0x19: {  	s7 =	sld [smem:$0x3FA0]  }
0x1a: {  	s8 =	sadd.s32 $0xFFFFE003, lr  }
0x1b: {  	s9 =	sadd.s32 $0xFFFFFEF7, lr;
	s5 =	simm.s32 $0xFFFFFFFF;
	p2 =	slt.u32 s8, $0xFFFFF086  }
0x1c: {  	p1 =	slt.u32 s9, $0xF7A;
	s5 =	simm.s32 @!p2 $0x0  }
0x1d: {  	s5 =	simm.s32 @p1 $0x1;
	p0 =	seq.s32 s7, s2  }
0x1e: {  	s7 =	smul.u32 @!p0 $0xF7A, s2;
	p2 =	seq.s32 @!p0 s5, $0x0  }
0x1f: {  	s9 =	smul.u32 $0xF7A, s1;
	s8 =	simm.s32 @!p0 $0x1BF5;
	p2 =	por !p2, p0  }
0x20: {  	[sflag:s8] =	ssyncset.s32 @!p0 $0xFFFFF086;
	s6 =	sadd.s32 @!p0 s3, s7;
	s7 =	simm.s32 @!p0 $0x108  }
0x21: {  	s3 =	sadd.s32 s3, s9;
	s6 =	sadd.s32 @!p0 $0x88, s6;
	s7 =	simm.s32 @p2 $0x1082  }
0x22: {  	[simem:s7], [sflag:s8] =	dma.local @!p0 [hbm:s6], $0xF7A  }
0x23: {  	s9 =	sor.u32 $0xD0000000, s2;
	s6 =	simm.s32 $0x108;
	_ =	swait.ge @!p0 [sflag:s8], $0x0  }
0x24: {  	s3 =	sadd.s32 $0x88, s3;
	s6 =	simm.s32 @!p1 $0x1082;
	[sflag:s4] =	ssyncset.s32 $0xFFFFF086  }
0x25: {  	[simem:s6], [sflag:s4] =	dma.local [hbm:s3], $0xF7A  }
0x26: {  	[smem:$0x3FA0] =	sst s1;
	(tag) =	ssettag s2;
	_ =	strace s9  }
0x27: {  	s1 =	sld [smem:$0x3FB0]  }
0x28: {  	s2 =	sld [smem:$0x3FB1]  }
0x29: {  	s4 =	sld [smem:$0x3FB3]  }
0x2a: {  	p0 =	seq.s32 s5, $0x0;
	s5 =	sld [smem:$0x3FB4]  }
0x2b: {  	s6 =	sld [smem:$0x3FB5]  }
0x2c: {  	s7 =	sld [smem:$0x3FB6]  }
0x2d: {  	s3 =	simm.s32 $0x108;
	s8 =	sld [smem:$0x3FB7]  }
0x2e: {  	s3 =	simm.s32 @!p0 $0x1082;
	s9 =	sld [smem:$0x3FB8]  }
0x2f: {  	lr =	sadd.s32 s0, s3;
	s0 =	sld [smem:$0x3FAF]  }
0x30: {  	s3 =	sld [smem:$0x3FB2]  }
0x31: {  	[smem:$0x3FBB] =	sst s10  }
0x32: {  	s10 =	sld [smem:$0x3FB9];
	_ =	sdelay $0x3  }
0x33: {  	p0 =	seq.s32 s10, $0x1;
	s10 =	sld [smem:$0x3FBB];
	_ =	sdelay $0x3  }
0x34: {  	[smem:$0x3FBB] =	sst s10  }
0x35: {  	s10 =	sld [smem:$0x3FBA];
	_ =	sdelay $0x3  }
0x36: {  	p1 =	seq.s32 s10, $0x1;
	s10 =	sld [smem:$0x3FBB];
	_ =	sdelay $0x3  }
0x37: {  	[smem:$0x3FBB] =	sst s10  }
0x38: {  	s10 =	sld [smem:$0x3FBC]  }
0x39: {  	_ = 	snop;
	(pc) =	sbr.ind lr, $3  }
0x3a: {  	_ = 	snop  }
0x3b: {  	_ = 	snop  }
0x3c: {  	p2 =	seq.s32 s10, $0x1;
	s10 =	sld [smem:$0x3FBB]  }
0x3d: {  	_ =	shalt  }
0x3e: {  	_ =	shalt  }
0x3f: {  	_ =	shalt  }
0x40: {  	_ =	shalt  }
0x41: {  	_ =	shalt  }
0x42: {  	_ =	shalt  }
0x43: {  	_ =	shalt  }
0x44: {  	_ =	shalt  }
0x45: {  	_ =	shalt  }
0x46: {  	_ =	shalt  }
0x47: {  	_ =	shalt  }
0x48: {  	_ =	shalt  }
0x49: {  	_ =	shalt  }
0x4a: {  	_ =	shalt  }
0x4b: {  	_ =	shalt  }
0x4c: {  	_ =	shalt  }
0x4d: {  	_ =	shalt  }
0x4e: {  	_ =	shalt  }
0x4f: {  	_ =	shalt  }
0x50: {  	_ =	shalt  }
0x51: {  	_ =	shalt  }
0x52: {  	_ =	shalt  }
0x53: {  	_ =	shalt  }
0x54: {  	_ =	shalt  }
0x55: {  	_ =	shalt  }
0x56: {  	_ =	shalt  }
0x57: {  	_ =	shalt  }
0x58: {  	_ =	shalt  }
0x59: {  	_ =	shalt  }
0x5a: {  	_ =	shalt  }
0x5b: {  	_ =	shalt  }
0x5c: {  	_ =	shalt  }
0x5d: {  	_ =	shalt  }
0x5e: {  	_ =	shalt  }
0x5f: {  	_ =	shalt  }
0x60: {  	_ =	shalt  }
0x61: {  	_ =	shalt  }
0x62: {  	_ =	shalt  }
0x63: {  	_ =	shalt  }
0x64: {  	_ =	shalt  }
0x65: {  	_ =	shalt  }
0x66: {  	_ =	shalt  }
0x67: {  	_ =	shalt  }
0x68: {  	_ =	shalt  }
0x69: {  	_ =	shalt  }
0x6a: {  	_ =	shalt  }
0x6b: {  	_ =	shalt  }
0x6c: {  	_ =	shalt  }
0x6d: {  	_ =	shalt  }
0x6e: {  	_ =	shalt  }
0x6f: {  	_ =	shalt  }
0x70: {  	_ =	shalt  }
0x71: {  	_ =	shalt  }
0x72: {  	_ =	shalt  }
0x73: {  	_ =	shalt  }
0x74: {  	_ =	shalt  }
0x75: {  	_ =	shalt  }
0x76: {  	_ =	shalt  }
0x77: {  	_ =	shalt  }
0x78: {  	_ =	shalt  }
0x79: {  	_ =	shalt  }
0x7a: {  	_ =	shalt  }
0x7b: {  	_ =	shalt  }
0x7c: {  	_ =	shalt  }
0x7d: {  	_ =	shalt  }
0x7e: {  	_ =	shalt  }
0x7f: {  	_ =	shalt  }
0x80: {  	_ =	shalt  }
0x81: {  	_ =	shalt  }
0x82: {  	_ =	shalt  }
0x83: {  	_ =	shalt  }
0x84: {  	_ =	shalt  }
0x85: {  	_ =	shalt  }
0x86: {  	_ =	shalt  }
0x87: {  	_ =	shalt  }
.Lfunc_end0:
.L_simem_size_0:
called_computation_lowered:
.L_overlay_start_0:
0x88: {  	s2 =	sld [smem:$0x3FD9]  }
0x89: {  	s3 =	sld [smem:$0x3FFE];
	_ =	sdelay $0x1  }
0x8a: {  	s1 =	srdreg.scid  }
0x8b: {  	s0 =	sand.u32 $0x1, s1  }
0x8c: {  	s18 =	sshll.u32 s0, $0xA;
	s2 =	sadd.s32 s3, s2  }
0x8d: {  	s2 =	sadd.s32 s2, s18  }
0x8e: {  	[smem:$0x3FC7] =	sst s2  }
0x8f: {  	_ = 	snop  }
0x90: {  	s2 =	sld [smem:$0x3FC9]  }
0x91: {  	s19 =	sld [smem:$0x3FD0];
	(tm) =	ssettm $0x1  }
0x92: {  	s4 =	sld [smem:$0x3FFB];
	_ =	sdelay $0x3  }
0x93: {  	_ =	strace s4  }
0x94: {  	s4 =	sld [smem:$0x3FFC];
	_ =	sdelay $0x3  }
0x95: {  	_ =	strace s4  }
0x96: {  	s4 =	sld [smem:$0x3FFD];
	_ =	sdelay $0x3  }
0x97: {  	_ =	strace s4  }
0x98: {  	_ =	strace $0x8FFFFFFF  }
0x99: {  	s20 =	sld [smem:$0x3FDB];
	_ =	sdelay $0x1  }
0x9a: {  	s5 =	simm.s32 $_scs_section_size  }
0x9b: {  	s6 =	simm.s32 $_size__tile_overlayer_lowered;
	s7 =	simm.s32 $_tile_overlayer_lowered  }
0x9c: {  	s23 =	simm.s32 $0x1BFF;
	s22 =	sshll.u32 s7, $0x1;
	s4 =	sadd.s32 s5, s20  }
0x9d: {  	s8 =	simm.s32 $0x0;
	s21 =	sshll.u32 s6, $0x1;
	s6 =	sadd.s32 s22, s4  }
0x9e: {  	[timem:s8], [sflag:s23] =	dma.local [hbm:s6], s21  }
0x9f: {  	_ =	swait.ge [sflag:s23], s21  }
0xa0: {  	s5 =	ssub.s32 $0x0, s21;
	[sflag:s23] =	ssyncset.done $0x0  }
0xa1: {  	[sflag:s23] =	ssyncadd.s32 s5;
	_ =	sdelay $0x1  }
0xa2: {  	s24 =	simm.s32 $0x1B8B  }
0xa3: {  	_ =	swait.ge [sflag:s24], $0x1  }
0xa4: {  	[sflag:s24] =	ssyncset.done $0x0  }
0xa5: {  	s25 =	simm.s32 $0x1B8E;
	[sflag:s24] =	ssyncadd.s32 $0xFFFFFFFF  }
0xa6: {  	s26 =	simm.s32 $execute0_lowered;
	[smem:$0x3FD2] =	sst s25  }
0xa7: {  	s5 =	sshll.u32 s26, $0x1;
	_ =	strace $0x80000046;
	[dreg:$0x1] =	wrdreg $0xFFFFFFFF  }
0xa8: {  	s28 =	simm.s32 $_size_execute0_lowered;
	s4 =	sadd.s32 s4, s5;
	[dreg:$0x0] =	wrdreg $0x0  }
0xa9: {  	s5 =	sshll.u32 s28, $0x1;
	[dreg:$0x2] =	wrdreg s4  }
0xaa: {  	[dreg:$0x3] =	wrdreg s5  }
0xab: {  	[dreg:$0x4] =	wrdreg $0xC0  }
0xac: {  	_ =	task [dreg:s8], $0x5FFFF  }
0xad: {  	[dreg:$0x1] =	wrdreg $0xFFFFFFFF  }
0xae: {  	[dreg:$0x0] =	wrdreg $0x60  }
0xaf: {  	[dreg:$0x2] =	wrdreg s2  }
0xb0: {  	[dreg:$0x3] =	wrdreg s19  }
0xb1: {  	[dreg:$0x4] =	wrdreg $0x9  }
0xb2: {  	_ =	task.clear_ibuf [dreg:s8], $0x5FFFF;
	_ =	strace $0x90000046  }
0xb3: {  	s29 =	simm.s32 $0x9;
	_ =	strace $0x80000048  }
0xb4: {  	_ =	swait.ge [sflag:s29], $0x1  }
0xb5: {  	[sflag:s29] =	ssyncadd.s32 $0xFFFFFFFF  }
0xb6: {  	_ =	strace $0x90000048  }
0xb7: {  	_ =	sfence  }
0xb8: {  	s30 =	sld [smem:$0x0];
	_ =	sdelay $0x2  }
0xb9: {  	s31 =	sshll.u32 s1, $0xD;
	s1 =	sshrl.u32 s1, $0x2  }
0xba: {  	s3 =	sand.u32 $0x4000, s31;
	s1 =	sadd.s32 s1, s30  }
0xbb: {  	s0 =	sor.u32 s3, s0;
	s1 =	sshll.u32 s1, $0x11  }
0xbc: {  	s0 =	sor.u32 s1, s0  }
0xbd: {  	s0 =	sadd.s32 $0x8F2B, s0  }
0xbe: {  	[sflag:s0] =	ssyncadd.remote.s32 $0x1  }
0xbf: {  	_ =	sfence.sel $0xFFFF  }
0xc0: {  	[dreg:$0x0] =	wrdreg $0xFFFFFFFF;
	(pc) =	sbr.abs _section_cstart, $3  }
0xc1: {  	[dreg:$0x1] =	wrdreg $0xFFFFFFFF  }
0xc2: {  	_ =	task.clear_ibuf [dreg:s8], $0x2FFFF;
	_ =	strace $0x9FFFFFFF  }
0xc3: {  	(tm) =	ssettm $0x7FFFFFFF  }
tec
execute0_lowered:
.L_overlay_start_1:
0x0: {  	(tag) =	ssettag $0x1  }
0x1: {  	s4 =	rddreg [dreg:$0x0]  }
0x2: {  	s6 =	rddreg [dreg:$0x1]  }
0x3: {  	s2 =	srdreg.scid;
	s1 =	stileid.u32  }
0x4: {  	s0 =	rddreg [dreg:$0x2];
	s9 =	simm.s32 $0x400;
	s10 =	simm.s32 $0x8000  }
0x5: {  	s11 =	simm.s32 $0x1;
	s12 =	simm.s32 $0x10000;
	s13 =	simm.s32 $0x2  }
0x6: {  	s14 =	simm.s32 $0x3;
	s15 =	simm.s32 $0x4;
	s16 =	simm.s32 $0x0  }
0x7: {  	s3 =	sand.u32 $0x1, s2;
	s29 =	sshll.u32 s1, $0x6;
	s7 =	sshll.u32 s1, $0xE  }
0x8: {  	s2 =	simm.s32 $0x0;
	s5 =	sshll.u32 s3, $0x5;
	s8 =	sand.u32 $0x40, s29  }
0x9: {  	s7 =	sand.u32 $0x38000, s7;
	[smem:$0x7FF] =	sst s2;
	s3 =	ssub.s32 $0x2, s3  }
0xa: {  	s5 =	sor.u32 s5, s8;
	_ =	strace $0x80000047;
	s30 =	sshrl.u32 s3, $0x1  }
0xb: {  	s8 =	simm.s32 $0x80;
	s5 =	sor.u32 s7, s5;
	s7 =	ssub.s32 s3, s30  }
0xc: {  	s31 =	sor.u32 $0x10, s5;
	s3 =	sadd.s32 s4, s5;
	s5 =	sadd.s32 s6, s5  }
0xd: {  	v0 =	vimm.f32 $0.0e+00;
	v1 =	vlaneseq.u32;
	s7 =	smax.u32 s7, $0x1;
	s4 =	sadd.s32 s4, s31;
	s6 =	sadd.s32 s6, s31  }
.LBB2_1:
0xe: {  	[tilespmem:s2], [sflag:$0x1] =	stream.strided.gather [hbm4b:s3+s8], $0x8000, s9, s8, $0x38;
	[tilespmem:$0x18000] =	vst v63  }
0xf: {  	s17 =	simm.s32 $0x0;
	s18 =	simm.s32 $0x400  }
0x10: {  	[tilespmem:s10], [sflag:$0x2] =	stream.strided.gather [hbm4b:s4+s8], $0x8000, s9, s8, $0x38;
	[tilespmem:$0x18000] =	vst v63  }
.LBB2_2:
0x11: {  	p0 =	sne.s32 s18, $0x1FC00;
	[tilespmem:s17+$0x100F0] =	vst v0  }
0x12: {  	[tilespmem:s17+$0x10000] =	vst v0  }
0x13: {  	[tilespmem:s17+$0x10010] =	vst v0  }
0x14: {  	[tilespmem:s17+$0x10020] =	vst v0  }
0x15: {  	[tilespmem:s17+$0x10030] =	vst v0  }
0x16: {  	[tilespmem:s17+$0x10040] =	vst v0  }
0x17: {  	[tilespmem:s17+$0x10050] =	vst v0  }
0x18: {  	[tilespmem:s17+$0x10060] =	vst v0  }
0x19: {  	[tilespmem:s17+$0x10070] =	vst v0  }
0x1a: {  	[tilespmem:s17+$0x10080] =	vst v0  }
0x1b: {  	[tilespmem:s17+$0x10090] =	vst v0  }
.Ltmp0:
0x1c: {  	[tilespmem:s17+$0x100A0] =	vst v0;
	(pc) =	sbr.rel @p0 .LBB2_2-.Ltmp0, $4  }
0x1d: {  	[tilespmem:s17+$0x100B0] =	vst v0  }
0x1e: {  	[tilespmem:s17+$0x100C0] =	vst v0  }
0x1f: {  	[tilespmem:s17+$0x100D0] =	vst v0  }
0x20: {  	[tilespmem:s17+$0x100E0] =	vst v0;
	s17 =	sshra.s32 s18, $0x2;
	s18 =	sadd.s32 $0x400, s18  }
0x21: {  	[tilespmem:s17+$0x100F0] =	vst v0  }
0x22: {  	[tilespmem:s17+$0x10000] =	vst v0  }
0x23: {  	[tilespmem:s17+$0x10010] =	vst v0  }
0x24: {  	[tilespmem:s17+$0x10020] =	vst v0  }
0x25: {  	[tilespmem:s17+$0x10030] =	vst v0  }
0x26: {  	[tilespmem:s17+$0x10040] =	vst v0  }
0x27: {  	[tilespmem:s17+$0x10050] =	vst v0  }
0x28: {  	[tilespmem:s17+$0x10060] =	vst v0  }
0x29: {  	[tilespmem:s17+$0x10070] =	vst v0  }
0x2a: {  	[tilespmem:s17+$0x10080] =	vst v0  }
0x2b: {  	[tilespmem:s17+$0x10090] =	vst v0  }
0x2c: {  	[tilespmem:s17+$0x100A0] =	vst v0  }
0x2d: {  	[tilespmem:s17+$0x100B0] =	vst v0  }
0x2e: {  	[tilespmem:s17+$0x100C0] =	vst v0  }
0x2f: {  	[tilespmem:s17+$0x100D0] =	vst v0  }
0x30: {  	[tilespmem:s17+$0x100E0] =	vst v0  }
0x31: {  	_ =	swait.ge [sflag:s11], $0x8000  }
0x32: {  	[sflag:s11] =	ssyncset.done $0x0  }
0x33: {  	s17 =	simm.s32 $0x0;
	[sflag:s11] =	ssyncadd.s32 $0xFFFF8000  }
0x34: {  	v3 =	vld [tilespmem:s17+$0x0]  }
0x35: {  	v4 =	vimm.f32 $-Inf;
	v5 =	vld [tilespmem:s17+$0x10]  }
0x36: {  	v2 =	vimm.s32 $0x0;
	v21 =	vimm.f32 $-Inf;
	v34 =	vimm.f32 $-Inf;
	v6 =	vld [tilespmem:s17+$0x20]  }
0x37: {  	v22 =	vimm.f32 $-Inf;
	v26 =	vimm.f32 $-Inf;
	v27 =	vimm.f32 $-Inf;
	v7 =	vld [tilespmem:s17+$0x30]  }
0x38: {  	v11 =	vimm.f32 $-Inf;
	v12 =	vimm.f32 $-Inf;
	v13 =	vimm.f32 $-Inf;
	v35 =	vld [tilespmem:s17+$0x40]  }
0x39: {  	v8 =	vimm.s32 $0x0;
	v9 =	vimm.s32 $0x0;
	v10 =	vimm.s32 $0x0;
	v36 =	vld [tilespmem:s17+$0x50]  }
0x3a: {  	v14 =	vimm.s32 $0x0;
	v15 =	vimm.s32 $0x0;
	v16 =	vimm.s32 $0x0;
	v37 =	vld [tilespmem:s17+$0x60]  }
0x3b: {  	v23 =	vimm.s32 $0x0;
	v24 =	vimm.s32 $0x0;
	v25 =	vimm.s32 $0x0;
	v38 =	vld [tilespmem:s17+$0x70]  }
0x3c: {  	v28 =	vimm.s32 $0x0;
	v29 =	vimm.s32 $0x0;
	v30 =	vimm.s32 $0x0;
	v39 =	vld [tilespmem:s17+$0x80]  }
0x3d: {  	v33 =	vimm.s32 $0x0;
	v31 =	vimm.s32 $0x0;
	v32 =	vimm.s32 $0x0;
	v41 =	vld [tilespmem:s17+$0x90]  }
0x3e: {  	v40 =	vld [tilespmem:s17+$0xA0];
	vm0 =	vgt.f32 v3, v4;
	vm1 =	vgt.f32 v6, v4;
	vm2 =	vgt.f32 v7, v4  }
0x3f: {  	v42 =	vld [tilespmem:s17+$0xB0];
	vm3 =	vgt.f32 v35, v4;
	vm4 =	vgt.f32 v36, v4;
	vm5 =	vgt.f32 v37, v4  }
0x40: {  	v44 =	vld [tilespmem:s17+$0xC0];
	v19 =	vsel vm0, v3, v4;
	v3 =	vsel vm0, v2, v2;
	vm0 =	vgt.f32 v5, v4  }
0x41: {  	v43 =	vld [tilespmem:s17+$0xD0];
	v18 =	vsel vm1, v6, v4;
	v17 =	vsel vm2, v7, v4;
	v6 =	vimm.f32 $-Inf  }
0x42: {  	s18 =	simm.s32 $0x400;
	v45 =	vld [tilespmem:s17+$0xE0];
	v7 =	vimm.f32 $-Inf;
	v20 =	vsel vm0, v5, v4;
	v5 =	vimm.f32 $-Inf  }
.LBB2_4:
0x43: {  	p0 =	sne.s32 s18, $0x1FC00;
	v4 =	vsel vm3, v35, v4;
	v21 =	vsel vm4, v36, v21;
	v34 =	vsel vm5, v37, v34;
	v36 =	vld [tilespmem:s17+$0xF0]  }
0x44: {  	s17 =	sshra.s32 s18, $0x2;
	vm6 =	vgt.f32 v38, v22;
	vm7 =	vgt.f32 v39, v26;
	vm8 =	vgt.f32 v41, v27  }
0x45: {  	v22 =	vsel vm6, v38, v22;
	v26 =	vsel vm7, v39, v26;
	v27 =	vsel vm8, v41, v27;
	v46 =	vld [tilespmem:s17+$0x0]  }
0x46: {  	vm9 =	vgt.f32 v40, v11;
	vm10 =	vgt.f32 v42, v12;
	vm11 =	vgt.f32 v44, v13;
	v47 =	vld [tilespmem:s17+$0x10]  }
0x47: {  	v11 =	vsel vm9, v40, v11;
	v12 =	vsel vm10, v42, v12;
	v13 =	vsel vm11, v44, v13;
	v48 =	vld [tilespmem:s17+$0x20]  }
0x48: {  	vm12 =	vgt.f32 v43, v5;
	vm13 =	vgt.f32 v45, v6;
	v49 =	vld [tilespmem:s17+$0x30];
	vm14 =	vgt.f32 v36, v7  }
0x49: {  	v5 =	vsel vm12, v43, v5;
	v6 =	vsel vm13, v45, v6;
	v35 =	vld [tilespmem:s17+$0x40];
	v7 =	vsel vm14, v36, v7  }
0x4a: {  	v8 =	vsel vm0, v2, v8;
	v9 =	vsel vm1, v2, v9;
	v10 =	vsel vm2, v2, v10;
	v36 =	vld [tilespmem:s17+$0x50]  }
0x4b: {  	v14 =	vsel vm3, v2, v14;
	v15 =	vsel vm4, v2, v15;
	v16 =	vsel vm5, v2, v16;
	v37 =	vld [tilespmem:s17+$0x60]  }
0x4c: {  	v23 =	vsel vm6, v2, v23;
	v24 =	vsel vm7, v2, v24;
	v25 =	vsel vm8, v2, v25;
	v38 =	vld [tilespmem:s17+$0x70]  }
0x4d: {  	v28 =	vsel vm9, v2, v28;
	v29 =	vsel vm10, v2, v29;
	v30 =	vsel vm11, v2, v30;
	v39 =	vld [tilespmem:s17+$0x80]  }
0x4e: {  	v33 =	vsel vm12, v2, v33;
	v31 =	vsel vm13, v2, v31;
	v32 =	vsel vm14, v2, v32;
	v41 =	vld [tilespmem:s17+$0x90]  }
.Ltmp1:
0x4f: {  	v2 =	vadd.s32 $0x1, v2;
	vm0 =	vgt.f32 v46, v19;
	v40 =	vld [tilespmem:s17+$0xA0];
	(pc) =	sbr.rel @p0 .LBB2_4-.Ltmp1, $4  }
0x50: {  	v19 =	vsel vm0, v46, v19;
	v3 =	vsel vm0, v2, v3;
	v42 =	vld [tilespmem:s17+$0xB0]  }
0x51: {  	vm0 =	vgt.f32 v47, v20;
	vm1 =	vgt.f32 v48, v18;
	vm2 =	vgt.f32 v49, v17;
	v44 =	vld [tilespmem:s17+$0xC0]  }
0x52: {  	v20 =	vsel vm0, v47, v20;
	v18 =	vsel vm1, v48, v18;
	v17 =	vsel vm2, v49, v17;
	v43 =	vld [tilespmem:s17+$0xD0]  }
0x53: {  	s18 =	sadd.s32 $0x400, s18;
	vm3 =	vgt.f32 v35, v4;
	vm4 =	vgt.f32 v36, v21;
	vm5 =	vgt.f32 v37, v34;
	v45 =	vld [tilespmem:s17+$0xE0]  }
0x54: {  	v35 =	vsel vm3, v35, v4;
	v36 =	vsel vm4, v36, v21  }
0x55: {  	v21 =	vsel vm5, v37, v34;
	vm6 =	vgt.f32 v38, v22;
	vm7 =	vgt.f32 v39, v26  }
0x56: {  	vm8 =	vgt.f32 v41, v27;
	vm9 =	vgt.f32 v40, v11;
	v3 =	vshll.u32 v3, $0x8  }
0x57: {  	v22 =	vsel vm6, v38, v22;
	v26 =	vsel vm7, v39, v26;
	v27 =	vsel vm8, v41, v27  }
0x58: {  	vm10 =	vgt.f32 v42, v12;
	v52 =	vsel vm9, v40, v11;
	v11 =	vsel vm7, v2, v24  }
0x59: {  	vm11 =	vgt.f32 v44, v13;
	v53 =	vsel vm10, v42, v12;
	v12 =	vsel vm8, v2, v25  }
0x5a: {  	v4 =	vld [tilespmem:s17+$0xF0];
	v25 =	vor.u32 v1, v3;
	v3 =	vor.u32 $0x20, v1;
	v11 =	vshll.u32 v11, $0x8  }
0x5b: {  	v54 =	vsel vm11, v44, v13;
	vm12 =	vgt.f32 v43, v5;
	v13 =	vsel vm9, v2, v28  }
0x5c: {  	v12 =	vshll.u32 v12, $0x8;
	vm13 =	vgt.f32 v45, v6;
	v55 =	vsel vm12, v43, v5  }
0x5d: {  	v5 =	vsel vm1, v2, v9;
	v9 =	vsel vm5, v2, v16;
	v16 =	vsel vm12, v2, v33  }
0x5e: {  	v63 =	vshll.u32 v13, $0x8;
	v13 =	vor.u32 $0xC0, v1;
	vm1 =	veq.f32 v26, v19  }
0x5f: {  	vm14 =	vgt.f32 v4, v7;
	v56 =	vsel vm13, v45, v6;
	v6 =	vsel vm2, v2, v10  }
0x60: {  	v10 =	vsel vm6, v2, v23;
	v23 =	vsel vm13, v2, v31;
	v5 =	vshll.u32 v5, $0x8  }
0x61: {  	v9 =	vshll.u32 v9, $0x8;
	v48 =	vshll.u32 v16, $0x8;
	v16 =	vor.u32 $0xF0, v1  }
0x62: {  	v57 =	vsel vm14, v4, v7;
	v4 =	vsel vm0, v2, v8;
	v7 =	vsel vm3, v2, v14  }
0x63: {  	v8 =	vsel vm4, v2, v15;
	v14 =	vsel vm10, v2, v29;
	v15 =	vsel vm11, v2, v30  }
0x64: {  	v24 =	vsel vm14, v2, v32;
	v2 =	vor.u32 $0x10, v1;
	v6 =	vshll.u32 v6, $0x8  }
0x65: {  	v29 =	vor.u32 v3, v5;
	v5 =	vor.u32 $0x40, v1;
	v60 =	vshll.u32 v10, $0x8  }
0x66: {  	v10 =	vor.u32 $0x90, v1;
	v23 =	vshll.u32 v23, $0x8;
	vm0 =	vgt.f32 v26, v19  }
0x67: {  	vm4 =	veq.f32 v53, v17;
	v28 =	vshll.u32 v4, $0x8;
	v4 =	vor.u32 $0x30, v1  }
0x68: {  	v31 =	vshll.u32 v7, $0x8;
	v8 =	vshll.u32 v8, $0x8;
	v7 =	vor.u32 $0x60, v1  }
0x69: {  	v62 =	vor.u32 v10, v12;
	v14 =	vshll.u32 v14, $0x8;
	v12 =	vor.u32 $0xB0, v1  }
0x6a: {  	v15 =	vshll.u32 v15, $0x8;
	v24 =	vshll.u32 v24, $0x8;
	v28 =	vor.u32 v2, v28  }
0x6b: {  	v30 =	vor.u32 v4, v6;
	v6 =	vor.u32 $0x50, v1;
	v31 =	vor.u32 v5, v31  }
0x6c: {  	v59 =	vor.u32 v7, v9;
	v9 =	vor.u32 $0x80, v1;
	v46 =	vor.u32 v12, v14  }
0x6d: {  	v47 =	vor.u32 v13, v15;
	v14 =	vor.u32 $0xD0, v1;
	v15 =	vor.u32 $0xE0, v1  }
0x6e: {  	v24 =	vor.u32 v16, v24;
	v58 =	vor.u32 v6, v8;
	v8 =	vor.u32 $0x70, v1  }
0x6f: {  	v61 =	vor.u32 v9, v11;
	v11 =	vor.u32 $0xA0, v1;
	v48 =	vor.u32 v14, v48  }
0x70: {  	v23 =	vor.u32 v15, v23;
	vm3 =	vlt.s32 v62, v28;
	vm5 =	vlt.s32 v46, v30  }
0x71: {  	v42 =	vor.u32 v8, v60;
	v45 =	vor.u32 v11, v63;
	vm2 =	vlt.s32 v61, v25  }
0x72: {  	vm4 =	vmand vm4, vm5;
	vm1 =	vmand vm1, vm2;
	vm2 =	veq.f32 v27, v20  }
0x73: {  	vm0 =	vmor vm0, vm1;
	vm1 =	vgt.f32 v27, v20;
	vm2 =	vmand vm2, vm3  }
0x74: {  	vm3 =	vlt.s32 v45, v29;
	v19 =	vsel vm0, v26, v19;
	v25 =	vsel vm0, v61, v25  }
0x75: {  	vm0 =	vmor vm1, vm2;
	vm1 =	vgt.f32 v52, v18;
	vm2 =	veq.f32 v52, v18  }
0x76: {  	v20 =	vsel vm0, v27, v20;
	vm2 =	vmand vm2, vm3;
	vm3 =	vgt.f32 v53, v17  }
0x77: {  	v26 =	vsel vm0, v62, v28;
	vm0 =	vmor vm1, vm2;
	vm1 =	vmor vm3, vm4  }
0x78: {  	vm2 =	veq.f32 v54, v35;
	vm3 =	vlt.s32 v47, v31;
	vm4 =	vlt.s32 v48, v58  }
0x79: {  	v18 =	vsel vm0, v52, v18;
	v27 =	vsel vm0, v45, v29;
	v17 =	vsel vm1, v53, v17  }
0x7a: {  	vm0 =	vgt.f32 v54, v35;
	vm2 =	vmand vm2, vm3;
	vm3 =	veq.f32 v55, v36  }
0x7b: {  	vm0 =	vmor vm0, vm2;
	vm2 =	vgt.f32 v55, v36;
	vm3 =	vmand vm3, vm4  }
0x7c: {  	v28 =	vsel vm1, v46, v30;
	v29 =	vsel vm0, v54, v35;
	vm1 =	vmor vm2, vm3  }
0x7d: {  	v30 =	vsel vm0, v47, v31;
	vm0 =	vgt.f32 v56, v21;
	vm2 =	vlt.s32 v23, v59  }
0x7e: {  	v31 =	vsel vm1, v55, v36;
	v32 =	vsel vm1, v48, v58;
	vm1 =	veq.f32 v56, v21  }
0x7f: {  	vm3 =	vlt.s32 v24, v42;
	vm1 =	vmand vm1, vm2;
	vm2 =	veq.f32 v57, v22  }
0x80: {  	vm4 =	veq.f32 v31, v20;
	vm5 =	vlt.s32 v32, v26;
	vm0 =	vmor vm0, vm1  }
0x81: {  	vm1 =	vgt.f32 v57, v22;
	vm2 =	vmand vm2, vm3;
	vm3 =	vlt.s32 v30, v25  }
0x82: {  	vm4 =	vmand vm4, vm5;
	v21 =	vsel vm0, v56, v21;
	v23 =	vsel vm0, v23, v59  }
0x83: {  	vm0 =	vmor vm1, vm2;
	vm1 =	vgt.f32 v29, v19;
	vm2 =	veq.f32 v29, v19  }
0x84: {  	v22 =	vsel vm0, v57, v22;
	vm2 =	vmand vm2, vm3;
	vm3 =	vgt.f32 v31, v20  }
0x85: {  	v24 =	vsel vm0, v24, v42;
	vm0 =	vmor vm1, vm2;
	vm1 =	vmor vm3, vm4  }
0x86: {  	vm2 =	veq.f32 v21, v18;
	vm3 =	vlt.s32 v23, v27;
	vm4 =	vlt.s32 v24, v28  }
0x87: {  	v19 =	vsel vm0, v29, v19;
	v25 =	vsel vm0, v30, v25;
	v20 =	vsel vm1, v31, v20  }
0x88: {  	vm0 =	vgt.f32 v21, v18;
	vm2 =	vmand vm2, vm3;
	vm3 =	veq.f32 v22, v17  }
0x89: {  	vm0 =	vmor vm0, vm2;
	vm2 =	vgt.f32 v22, v17;
	vm3 =	vmand vm3, vm4  }
0x8a: {  	v26 =	vsel vm1, v32, v26;
	v18 =	vsel vm0, v21, v18;
	vm1 =	vmor vm2, vm3  }
0x8b: {  	v21 =	vsel vm0, v23, v27;
	v17 =	vsel vm1, v22, v17;
	v22 =	vsel vm1, v24, v28  }
0x8c: {  	vm0 =	vgt.f32 v18, v19;
	vm1 =	veq.f32 v18, v19;
	vm2 =	vlt.s32 v21, v25  }
0x8d: {  	vm1 =	vmand vm1, vm2;
	vm2 =	veq.f32 v17, v20;
	vm3 =	vlt.s32 v22, v26  }
0x8e: {  	vm0 =	vmor vm0, vm1;
	vm1 =	vgt.f32 v17, v20;
	vm2 =	vmand vm2, vm3  }
0x8f: {  	v18 =	vsel vm0, v18, v19;
	vm1 =	vmor vm1, vm2  }
0x90: {  	v19 =	vsel vm0, v21, v25;
	v17 =	vsel vm1, v17, v20;
	v20 =	vsel vm1, v22, v26  }
0x91: {  	vm0 =	veq.f32 v17, v18;
	vm1 =	vlt.s32 v20, v19  }
0x92: {  	vm2 =	vgt.f32 v17, v18;
	vm0 =	vmand vm0, vm1  }
0x93: {  	vm0 =	vmor vm2, vm0  }
0x94: {  	v18 =	vsel vm0, v17, v18  }
0x95: {  	v17 =	vsel vm0, v20, v19;
	(v2sf) =	vpush v18, $0x0  }
0x96: {  	(v2sf) =	vpush v17, $0x0;
	_ =	sdelay $0x1  }
0x97: {  	(v2sf) =	vpush v18, $0x1  }
0x98: {  	(v2sf) =	vpush v17, $0x1;
	_ =	sdelay $0x4  }
0x99: {  	(v2sf) =	vpush v18, $0x2  }
0x9a: {  	(v2sf) =	vpush v17, $0x2;
	_ =	sdelay $0x4  }
0x9b: {  	s17 =	spop (v2sf);
	(v2sf) =	vpush v18, $0x3  }
0x9c: {  	s18 =	spop (v2sf);
	(v2sf) =	vpush v17, $0x3;
	_ =	sdelay $0x1  }
0x9d: {  	s19 =	spop (v2sf)  }
0x9e: {  	s20 =	spop (v2sf);
	p0 =	seq.f32 s19, s17  }
0x9f: {  	p1 =	slt.s32 s20, s18  }
0xa0: {  	(v2sf) =	vpush v18, $0x4;
	p2 =	sgt.f32 s19, s17;
	p0 =	por !p0, !p1  }
0xa1: {  	p0 =	por !p0, !p0  }
0xa2: {  	p0 =	por p2, p0  }
0xa3: {  	(v2sf) =	vpush v17, $0x4;
	s17 =	smov.u32 @p0 s19;
	s19 =	spop (v2sf)  }
0xa4: {  	s18 =	smov.u32 @p0 s20;
	s20 =	spop (v2sf);
	p1 =	seq.f32 s19, s17  }
0xa5: {  	p2 =	slt.s32 s20, s18  }
0xa6: {  	p3 =	sgt.f32 s19, s17;
	p0 =	por !p1, !p2  }
0xa7: {  	p0 =	por !p0, !p0  }
0xa8: {  	(v2sf) =	vpush v18, $0x5;
	p0 =	por p3, p0  }
0xa9: {  	(v2sf) =	vpush v17, $0x5;
	s17 =	smov.u32 @p0 s19;
	s19 =	spop (v2sf)  }
0xaa: {  	s18 =	smov.u32 @p0 s20;
	s20 =	spop (v2sf);
	p4 =	seq.f32 s19, s17  }
0xab: {  	p5 =	slt.s32 s20, s18  }
0xac: {  	p6 =	sgt.f32 s19, s17;
	p0 =	por !p4, !p5  }
0xad: {  	p0 =	por !p0, !p0  }
0xae: {  	(v2sf) =	vpush v18, $0x6;
	p0 =	por p6, p0  }
0xaf: {  	s17 =	smov.u32 @p0 s19;
	s19 =	spop (v2sf);
	(v2sf) =	vpush v17, $0x6;
	_ =	sdelay $0x2  }
0xb0: {  	s18 =	smov.u32 @p0 s20;
	s20 =	spop (v2sf);
	p1 =	seq.f32 s19, s17  }
0xb1: {  	p2 =	slt.s32 s20, s18  }
0xb2: {  	p3 =	sgt.f32 s19, s17;
	(v2sf) =	vpush v18, $0x7;
	p0 =	por !p1, !p2  }
0xb3: {  	p0 =	por !p0, !p0  }
0xb4: {  	p0 =	por p3, p0  }
0xb5: {  	s17 =	smov.u32 @p0 s19;
	s19 =	spop (v2sf);
	(v2sf) =	vpush v17, $0x7  }
0xb6: {  	s18 =	smov.u32 @p0 s20;
	s20 =	spop (v2sf);
	p4 =	seq.f32 s19, s17  }
0xb7: {  	p5 =	slt.s32 s20, s18  }
0xb8: {  	p6 =	sgt.f32 s19, s17;
	p0 =	por !p4, !p5  }
0xb9: {  	p0 =	por !p0, !p0  }
0xba: {  	(v2sf) =	vpush v18, $0x8;
	p0 =	por p6, p0  }
0xbb: {  	s17 =	smov.u32 @p0 s19;
	s19 =	spop (v2sf);
	(v2sf) =	vpush v17, $0x8  }
0xbc: {  	s18 =	smov.u32 @p0 s20;
	p1 =	seq.f32 s19, s17;
	s20 =	spop (v2sf)  }
0xbd: {  	p2 =	slt.s32 s20, s18  }
0xbe: {  	p3 =	sgt.f32 s19, s17;
	p0 =	por !p1, !p2  }
0xbf: {  	p0 =	por !p0, !p0  }
0xc0: {  	(v2sf) =	vpush v18, $0x9;
	p0 =	por p3, p0  }
0xc1: {  	s17 =	smov.u32 @p0 s19;
	s19 =	spop (v2sf);
	(v2sf) =	vpush v17, $0x9;
	_ =	sdelay $0x2  }
0xc2: {  	s18 =	smov.u32 @p0 s20;
	s20 =	spop (v2sf);
	p4 =	seq.f32 s19, s17  }
0xc3: {  	p5 =	slt.s32 s20, s18  }
0xc4: {  	p6 =	sgt.f32 s19, s17;
	(v2sf) =	vpush v18, $0xA;
	p0 =	por !p4, !p5  }
0xc5: {  	p0 =	por !p0, !p0  }
0xc6: {  	p0 =	por p6, p0  }
0xc7: {  	s17 =	smov.u32 @p0 s19;
	s19 =	spop (v2sf);
	(v2sf) =	vpush v17, $0xA  }
0xc8: {  	s18 =	smov.u32 @p0 s20;
	s20 =	spop (v2sf);
	p1 =	seq.f32 s19, s17  }
0xc9: {  	p2 =	slt.s32 s20, s18  }
0xca: {  	p3 =	sgt.f32 s19, s17;
	p0 =	por !p1, !p2  }
0xcb: {  	p0 =	por !p0, !p0  }
0xcc: {  	(v2sf) =	vpush v18, $0xB;
	p0 =	por p3, p0  }
0xcd: {  	s17 =	smov.u32 @p0 s19;
	s19 =	spop (v2sf);
	(v2sf) =	vpush v17, $0xB  }
0xce: {  	s18 =	smov.u32 @p0 s20;
	p4 =	seq.f32 s19, s17;
	s20 =	spop (v2sf)  }
0xcf: {  	p5 =	slt.s32 s20, s18  }
0xd0: {  	p6 =	sgt.f32 s19, s17;
	p0 =	por !p4, !p5  }
0xd1: {  	p0 =	por !p0, !p0  }
0xd2: {  	(v2sf) =	vpush v18, $0xC;
	p0 =	por p6, p0  }
0xd3: {  	s17 =	smov.u32 @p0 s19;
	s19 =	spop (v2sf);
	(v2sf) =	vpush v17, $0xC;
	_ =	sdelay $0x2  }
0xd4: {  	s18 =	smov.u32 @p0 s20;
	s20 =	spop (v2sf);
	p1 =	seq.f32 s19, s17  }
0xd5: {  	p2 =	slt.s32 s20, s18  }
0xd6: {  	p3 =	sgt.f32 s19, s17;
	(v2sf) =	vpush v18, $0xD;
	p0 =	por !p1, !p2  }
0xd7: {  	(v2sf) =	vpush v17, $0xD;
	p0 =	por !p0, !p0  }
0xd8: {  	p0 =	por p3, p0  }
0xd9: {  	s17 =	smov.u32 @p0 s19;
	s19 =	spop (v2sf)  }
0xda: {  	s18 =	smov.u32 @p0 s20;
	s20 =	spop (v2sf);
	p4 =	seq.f32 s19, s17  }
0xdb: {  	p5 =	slt.s32 s20, s18  }
0xdc: {  	(v2sf) =	vpush v18, $0xE;
	p6 =	sgt.f32 s19, s17;
	p0 =	por !p4, !p5  }
0xdd: {  	(v2sf) =	vpush v17, $0xE;
	p0 =	por !p0, !p0  }
0xde: {  	p0 =	por p6, p0  }
0xdf: {  	s17 =	smov.u32 @p0 s19;
	s19 =	spop (v2sf)  }
0xe0: {  	s18 =	smov.u32 @p0 s20;
	p1 =	seq.f32 s19, s17;
	s20 =	spop (v2sf)  }
0xe1: {  	(v2sf) =	vpush v18, $0xF;
	p2 =	slt.s32 s20, s18  }
0xe2: {  	p3 =	sgt.f32 s19, s17;
	(v2sf) =	vpush v17, $0xF;
	p0 =	por !p1, !p2  }
0xe3: {  	p0 =	por !p0, !p0  }
0xe4: {  	p0 =	por p3, p0  }
0xe5: {  	s21 =	spop (v2sf);
	s17 =	smov.u32 @p0 s19  }
0xe6: {  	s19 =	spop (v2sf);
	s18 =	smov.u32 @p0 s20;
	p4 =	seq.f32 s21, s17  }
0xe7: {  	p5 =	slt.s32 s19, s18  }
0xe8: {  	p6 =	sgt.f32 s21, s17;
	p0 =	por !p4, !p5  }
0xe9: {  	p0 =	por !p0, !p0  }
0xea: {  	p0 =	por p6, p0  }
0xeb: {  	s20 =	spop (v2sf);
	s17 =	smov.u32 @p0 s21  }
0xec: {  	s21 =	spop (v2sf);
	s18 =	smov.u32 @p0 s19;
	p2 =	seq.f32 s20, s17  }
0xed: {  	p3 =	slt.s32 s21, s18  }
0xee: {  	p4 =	sgt.f32 s20, s17;
	p0 =	por !p2, !p3  }
0xef: {  	p0 =	por !p0, !p0  }
0xf0: {  	s28 =	spop (v2sf);
	p0 =	por p4, p0  }
0xf1: {  	s17 =	smov.u32 @p0 s20;
	s18 =	smov.u32 @p0 s21;
	s20 =	spop (v2sf)  }
0xf2: {  	p0 =	seq.f32 s28, s17;
	p1 =	slt.s32 s20, s18;
	s21 =	smov.u32 s18  }
0xf3: {  	p2 =	sgt.f32 s28, s17;
	s21 =	smov.u32 @p1 s20  }
0xf4: {  	s18 =	smov.u32 @p0 s21  }
0xf5: {  	s18 =	smov.u32 @p2 s20  }
0xf6: {  	s29 =	sand.u32 $0xF, s18  }
0xf7: {  	s30 =	sshra.s32 s18, $0x1F;
	p5 =	slt.s32 s18, $0x1;
	p6 =	sne.s32 s29, $0x0  }
0xf8: {  	s31 =	sshrl.u32 s30, $0x1C;
	p0 =	por !p5, !p6  }
0xf9: {  	s19 =	simm.s32 $0x1;
	s17 =	sadd.s32 s31, s18;
	p0 =	por !p0, !p0  }
0xfa: {  	s17 =	sshrl.u32 s17, $0x4;
	s19 =	simm.s32 @!p0 $0x0  }
0xfb: {  	s17 =	ssub.s32 s17, s19  }
0xfc: {  	s17 =	sshll.u32 s17, $0x4  }
0xfd: {  	s18 =	ssub.s32 s18, s17  }
0xfe: {  	v17 =	vmov s18  }
0xff: {  	vm0 =	veq.s32 v17, v1  }
0x100: {  	[tilespmem:$0x1FFF0] =	vst v2;
	v17 =	vsel vm0, $0x3F800000, v0  }
0x101: {  	[tilespmem:s17+$0x10000] =	vst v17  }
0x102: {  	[hbm4b:s5+s8] =	stream.strided.scatter [tilespmem:s12], [sflag:$0x3], $0x8000, s9, s8, $0x38;
	[tilespmem:$0x18000] =	vst v63  }
0x103: {  	_ =	swait.ge [sflag:s13], $0x8000  }
0x104: {  	[sflag:s13] =	ssyncset.done $0x0  }
0x105: {  	s18 =	simm.s32 $0x0;
	[sflag:s13] =	ssyncadd.s32 $0xFFFF8000  }
0x106: {  	v17 =	vld [tilespmem:s18+$0x8000]  }
0x107: {  	v49 =	vimm.f32 $-Inf;
	v18 =	vld [tilespmem:s18+$0x8010]  }
0x108: {  	v34 =	vimm.s32 $0x0;
	v37 =	vimm.s32 $0x0;
	v39 =	vimm.f32 $-Inf;
	v24 =	vld [tilespmem:s18+$0x8020]  }
0x109: {  	v40 =	vimm.f32 $-Inf;
	v41 =	vimm.f32 $-Inf;
	v38 =	vimm.s32 $0x0;
	v25 =	vld [tilespmem:s18+$0x8030]  }
0x10a: {  	v44 =	vimm.s32 $0x0;
	v33 =	vimm.s32 $0x0;
	v43 =	vimm.s32 $0x0;
	v50 =	vld [tilespmem:s18+$0x8040]  }
0x10b: {  	v45 =	vimm.s32 $0x0;
	v46 =	vimm.s32 $0x0;
	v35 =	vimm.s32 $0x0;
	v51 =	vld [tilespmem:s18+$0x8050]  }
0x10c: {  	v47 =	vimm.s32 $0x0;
	v48 =	vimm.f32 $-Inf;
	v36 =	vimm.s32 $0x0;
	v52 =	vld [tilespmem:s18+$0x8060]  }
0x10d: {  	v42 =	vimm.s32 $0x0;
	v30 =	vimm.f32 $-Inf;
	v31 =	vimm.f32 $-Inf;
	v53 =	vld [tilespmem:s18+$0x8070]  }
0x10e: {  	v32 =	vimm.f32 $-Inf;
	v29 =	vimm.s32 $0x0;
	v23 =	vimm.f32 $-Inf;
	v54 =	vld [tilespmem:s18+$0x8080]  }
0x10f: {  	v27 =	vimm.s32 $0x0;
	v28 =	vimm.s32 $0x0;
	v21 =	vimm.s32 $0x0;
	v56 =	vld [tilespmem:s18+$0x8090]  }
0x110: {  	v26 =	vimm.f32 $-Inf;
	v55 =	vld [tilespmem:s18+$0x80A0];
	vm0 =	vgt.f32 v17, v23;
	vm1 =	vgt.f32 v24, v23  }
0x111: {  	v57 =	vld [tilespmem:s18+$0x80B0];
	vm2 =	vgt.f32 v25, v23;
	vm3 =	vgt.f32 v50, v23;
	vm4 =	vgt.f32 v51, v23  }
0x112: {  	v59 =	vld [tilespmem:s18+$0x80C0];
	vm5 =	vgt.f32 v52, v23;
	v19 =	vsel vm0, v17, v23;
	v22 =	vsel vm0, v21, v21  }
0x113: {  	v58 =	vld [tilespmem:s18+$0x80D0];
	vm0 =	vgt.f32 v18, v23;
	v17 =	vsel vm2, v25, v23;
	v25 =	vimm.f32 $-Inf  }
0x114: {  	s19 =	simm.s32 $0x400;
	v60 =	vld [tilespmem:s18+$0x80E0];
	v20 =	vsel vm0, v18, v23;
	v18 =	vsel vm1, v24, v23;
	v24 =	vimm.f32 $-Inf  }
.LBB2_6:
0x115: {  	p0 =	sne.s32 s19, $0x1FC00;
	v23 =	vsel vm3, v50, v23;
	v48 =	vsel vm4, v51, v48;
	v49 =	vsel vm5, v52, v49;
	v51 =	vld [tilespmem:s18+$0x80F0]  }
0x116: {  	s18 =	sshra.s32 s19, $0x2;
	vm6 =	vgt.f32 v53, v39;
	vm7 =	vgt.f32 v54, v40;
	vm8 =	vgt.f32 v56, v41  }
0x117: {  	v39 =	vsel vm6, v53, v39;
	v40 =	vsel vm7, v54, v40;
	v41 =	vsel vm8, v56, v41;
	v61 =	vld [tilespmem:s18+$0x8000]  }
0x118: {  	vm9 =	vgt.f32 v55, v30;
	vm10 =	vgt.f32 v57, v31;
	vm11 =	vgt.f32 v59, v32;
	v62 =	vld [tilespmem:s18+$0x8010]  }
0x119: {  	v30 =	vsel vm9, v55, v30;
	v31 =	vsel vm10, v57, v31;
	v32 =	vsel vm11, v59, v32;
	v63 =	vld [tilespmem:s18+$0x8020]  }
0x11a: {  	vm12 =	vgt.f32 v58, v24;
	vm13 =	vgt.f32 v60, v25;
	v2 =	vld [tilespmem:s18+$0x8030];
	vm14 =	vgt.f32 v51, v26  }
0x11b: {  	v24 =	vsel vm12, v58, v24;
	v25 =	vsel vm13, v60, v25;
	v50 =	vld [tilespmem:s18+$0x8040];
	v26 =	vsel vm14, v51, v26  }
0x11c: {  	v27 =	vsel vm0, v21, v27;
	v28 =	vsel vm1, v21, v28;
	v29 =	vsel vm2, v21, v29;
	v51 =	vld [tilespmem:s18+$0x8050]  }
0x11d: {  	v33 =	vsel vm3, v21, v33;
	v34 =	vsel vm4, v21, v34;
	v35 =	vsel vm5, v21, v35;
	v52 =	vld [tilespmem:s18+$0x8060]  }
0x11e: {  	v36 =	vsel vm6, v21, v36;
	v37 =	vsel vm7, v21, v37;
	v38 =	vsel vm8, v21, v38;
	v53 =	vld [tilespmem:s18+$0x8070]  }
0x11f: {  	v42 =	vsel vm9, v21, v42;
	v43 =	vsel vm10, v21, v43;
	v44 =	vsel vm11, v21, v44;
	v54 =	vld [tilespmem:s18+$0x8080]  }
0x120: {  	v47 =	vsel vm12, v21, v47;
	v45 =	vsel vm13, v21, v45;
	v46 =	vsel vm14, v21, v46;
	v56 =	vld [tilespmem:s18+$0x8090]  }
.Ltmp2:
0x121: {  	v21 =	vadd.s32 $0x1, v21;
	vm0 =	vgt.f32 v61, v19;
	v55 =	vld [tilespmem:s18+$0x80A0];
	(pc) =	sbr.rel @p0 .LBB2_6-.Ltmp2, $4  }
0x122: {  	v19 =	vsel vm0, v61, v19;
	v22 =	vsel vm0, v21, v22;
	v57 =	vld [tilespmem:s18+$0x80B0]  }
0x123: {  	vm0 =	vgt.f32 v62, v20;
	vm1 =	vgt.f32 v63, v18;
	vm2 =	vgt.f32 v2, v17;
	v59 =	vld [tilespmem:s18+$0x80C0]  }
0x124: {  	v20 =	vsel vm0, v62, v20;
	v18 =	vsel vm1, v63, v18;
	v17 =	vsel vm2, v2, v17;
	v58 =	vld [tilespmem:s18+$0x80D0]  }
0x125: {  	s19 =	sadd.s32 $0x400, s19;
	vm3 =	vgt.f32 v50, v23;
	vm4 =	vgt.f32 v51, v48;
	vm5 =	vgt.f32 v52, v49;
	v60 =	vld [tilespmem:s18+$0x80E0]  }
0x126: {  	v2 =	vsel vm3, v50, v23;
	v23 =	vsel vm4, v51, v48  }
0x127: {  	v48 =	vsel vm5, v52, v49;
	vm6 =	vgt.f32 v53, v39;
	vm7 =	vgt.f32 v54, v40  }
0x128: {  	vm8 =	vgt.f32 v56, v41;
	vm9 =	vgt.f32 v55, v30;
	v27 =	vsel vm0, v21, v27  }
0x129: {  	v28 =	vsel vm1, v21, v28;
	v29 =	vsel vm2, v21, v29;
	v33 =	vsel vm3, v21, v33  }
0x12a: {  	v34 =	vsel vm4, v21, v34;
	v35 =	vsel vm5, v21, v35;
	v22 =	vshll.u32 v22, $0x8  }
0x12b: {  	v39 =	vsel vm6, v53, v39;
	v40 =	vsel vm7, v54, v40;
	v41 =	vsel vm8, v56, v41  }
0x12c: {  	vm10 =	vgt.f32 v57, v31;
	v30 =	vsel vm9, v55, v30;
	v36 =	vsel vm6, v21, v36  }
0x12d: {  	v37 =	vsel vm7, v21, v37;
	v38 =	vsel vm8, v21, v38;
	v42 =	vsel vm9, v21, v42  }
0x12e: {  	v22 =	vor.u32 v1, v22;
	v27 =	vshll.u32 v27, $0x8;
	v28 =	vshll.u32 v28, $0x8  }
0x12f: {  	v29 =	vshll.u32 v29, $0x8;
	v61 =	vshll.u32 v33, $0x8;
	v62 =	vshll.u32 v34, $0x8  }
0x130: {  	v63 =	vshll.u32 v35, $0x8;
	vm11 =	vgt.f32 v59, v32;
	v31 =	vsel vm10, v57, v31  }
0x131: {  	v43 =	vsel vm10, v21, v43;
	v3 =	vor.u32 v3, v28;
	v4 =	vor.u32 v4, v29  }
0x132: {  	v5 =	vor.u32 v5, v61;
	v6 =	vor.u32 v6, v62;
	v7 =	vor.u32 v7, v63  }
0x133: {  	v36 =	vshll.u32 v36, $0x8;
	v37 =	vshll.u32 v37, $0x8;
	v49 =	vshll.u32 v42, $0x8  }
0x134: {  	v52 =	vld [tilespmem:s18+$0x80F0];
	vm9 =	vgt.f32 v40, v19;
	vm10 =	veq.f32 v40, v19;
	vm8 =	vgt.f32 v30, v18  }
0x135: {  	v32 =	vsel vm11, v59, v32;
	vm12 =	vgt.f32 v58, v24;
	v44 =	vsel vm11, v21, v44  }
0x136: {  	v8 =	vor.u32 v8, v36;
	v9 =	vor.u32 v9, v37;
	v50 =	vshll.u32 v43, $0x8  }
0x137: {  	v11 =	vor.u32 v11, v49;
	vm13 =	vgt.f32 v60, v25;
	v24 =	vsel vm12, v58, v24  }
0x138: {  	v47 =	vsel vm12, v21, v47;
	v51 =	vshll.u32 v44, $0x8;
	v12 =	vor.u32 v12, v50  }
0x139: {  	vm11 =	vlt.s32 v9, v22;
	vm12 =	veq.f32 v41, v20;
	vm14 =	vgt.f32 v52, v26  }
0x13a: {  	v25 =	vsel vm13, v60, v25;
	v45 =	vsel vm13, v21, v45;
	v13 =	vor.u32 v13, v51  }
0x13b: {  	v60 =	vld [tilespmem:$0x1FFF0];
	vm1 =	vmand vm10, vm11;
	vm10 =	vlt.s32 v11, v3;
	vm11 =	veq.f32 v31, v17  }
0x13c: {  	v26 =	vsel vm14, v52, v26;
	v59 =	vsel vm14, v21, v46;
	v46 =	vshll.u32 v38, $0x8  }
0x13d: {  	v52 =	vshll.u32 v47, $0x8;
	v53 =	vshll.u32 v45, $0x8;
	vm0 =	vmor vm9, vm1  }
0x13e: {  	vm14 =	vgt.f32 v41, v20;
	vm9 =	veq.f32 v30, v18;
	v10 =	vor.u32 v10, v46  }
0x13f: {  	v21 =	vshll.u32 v59, $0x8;
	v14 =	vor.u32 v14, v52;
	v15 =	vor.u32 v15, v53  }
0x140: {  	v54 =	vsel vm0, v40, v19;
	v9 =	vsel vm0, v9, v22;
	v27 =	vor.u32 v60, v27  }
0x141: {  	vm6 =	veq.f32 v26, v39;
	v16 =	vor.u32 v16, v21;
	vm13 =	vlt.s32 v10, v27  }
0x142: {  	vm5 =	vlt.s32 v15, v7;
	vm7 =	vlt.s32 v16, v8;
	vm2 =	vmand vm12, vm13  }
0x143: {  	vm12 =	vlt.s32 v12, v4;
	vm13 =	vgt.f32 v31, v17;
	vm15 =	vmor vm14, vm2  }
0x144: {  	vm2 =	vmand vm9, vm10;
	vm4 =	vmand vm11, vm12;
	vm9 =	veq.f32 v32, v2  }
0x145: {  	vm10 =	vlt.s32 v13, v5;
	vm11 =	veq.f32 v24, v23;
	vm12 =	vlt.s32 v14, v6  }
0x146: {  	v55 =	vsel vm15, v41, v20;
	v10 =	vsel vm15, v10, v27;
	vm14 =	vmor vm8, vm2  }
0x147: {  	vm15 =	vmor vm13, vm4;
	vm8 =	vgt.f32 v32, v2;
	vm2 =	vmand vm9, vm10  }
0x148: {  	vm13 =	vgt.f32 v24, v23;
	vm3 =	vmand vm11, vm12;
	vm4 =	veq.f32 v25, v48  }
0x149: {  	v56 =	vsel vm14, v30, v18;
	v3 =	vsel vm14, v11, v3;
	v57 =	vsel vm15, v31, v17  }
0x14a: {  	vm0 =	vmor vm8, vm2;
	v4 =	vsel vm15, v12, v4;
	vm14 =	vmor vm13, vm3  }
0x14b: {  	vm15 =	vgt.f32 v25, v48;
	vm1 =	vmand vm4, vm5;
	vm8 =	vgt.f32 v26, v39  }
0x14c: {  	vm2 =	vmand vm6, vm7;
	v2 =	vsel vm0, v32, v2;
	v5 =	vsel vm0, v13, v5  }
0x14d: {  	v58 =	vsel vm14, v24, v23;
	v6 =	vsel vm14, v14, v6;
	vm0 =	vmor vm15, vm1  }
0x14e: {  	vm9 =	vmor vm8, vm2;
	v59 =	vsel vm0, v25, v48;
	v7 =	vsel vm0, v15, v7  }
0x14f: {  	v60 =	vsel vm9, v26, v39;
	vm10 =	vgt.f32 v2, v54;
	vm11 =	veq.f32 v2, v54  }
0x150: {  	vm12 =	vlt.s32 v5, v9;
	vm13 =	veq.f32 v58, v55;
	vm14 =	vlt.s32 v6, v10  }
0x151: {  	vm15 =	vgt.f32 v58, v55;
	v8 =	vsel vm9, v16, v8;
	vm2 =	vmand vm11, vm12  }
0x152: {  	vm4 =	vmand vm13, vm14;
	vm11 =	veq.f32 v59, v56;
	vm12 =	vlt.s32 v7, v3  }
0x153: {  	vm13 =	veq.f32 v60, v57;
	vm14 =	vlt.s32 v8, v4;
	vm8 =	vmor vm10, vm2  }
0x154: {  	vm9 =	vmor vm15, vm4;
	vm10 =	vgt.f32 v59, v56;
	vm2 =	vmand vm11, vm12  }
0x155: {  	vm15 =	vgt.f32 v60, v57;
	vm3 =	vmand vm13, vm14;
	v2 =	vsel vm8, v2, v54  }
0x156: {  	v5 =	vsel vm8, v5, v9;
	v61 =	vsel vm9, v58, v55;
	vm0 =	vmor vm10, vm2  }
0x157: {  	v6 =	vsel vm9, v6, v10;
	vm6 =	vmor vm15, vm3;
	v62 =	vsel vm0, v59, v56  }
0x158: {  	v3 =	vsel vm0, v7, v3;
	v63 =	vsel vm6, v60, v57;
	v4 =	vsel vm6, v8, v4  }
0x159: {  	vm7 =	vgt.f32 v62, v2;
	vm8 =	veq.f32 v62, v2;
	vm9 =	vlt.s32 v3, v5  }
0x15a: {  	vm10 =	veq.f32 v63, v61;
	vm11 =	vlt.s32 v4, v6;
	vm1 =	vmand vm8, vm9  }
0x15b: {  	vm12 =	vgt.f32 v63, v61;
	vm2 =	vmand vm10, vm11;
	vm0 =	vmor vm7, vm1  }
0x15c: {  	vm1 =	vmor vm12, vm2;
	v2 =	vsel vm0, v62, v2  }
0x15d: {  	v5 =	vsel vm0, v3, v5;
	v3 =	vsel vm1, v63, v61;
	v4 =	vsel vm1, v4, v6  }
0x15e: {  	vm13 =	veq.f32 v3, v2;
	vm1 =	vlt.s32 v4, v5  }
0x15f: {  	vm14 =	vgt.f32 v3, v2;
	vm0 =	vmand vm13, vm1  }
0x160: {  	vm0 =	vmor vm14, vm0  }
0x161: {  	v3 =	vsel vm0, v3, v2  }
0x162: {  	v2 =	vsel vm0, v4, v5;
	(v2sf) =	vpush v3, $0x0  }
0x163: {  	(v2sf) =	vpush v2, $0x0;
	_ =	sdelay $0x1  }
0x164: {  	(v2sf) =	vpush v3, $0x1  }
0x165: {  	(v2sf) =	vpush v2, $0x1;
	_ =	sdelay $0x4  }
0x166: {  	(v2sf) =	vpush v3, $0x2  }
0x167: {  	(v2sf) =	vpush v2, $0x2;
	_ =	sdelay $0x4  }
0x168: {  	s19 =	spop (v2sf);
	(v2sf) =	vpush v3, $0x3  }
0x169: {  	s18 =	spop (v2sf);
	(v2sf) =	vpush v2, $0x3;
	_ =	sdelay $0x1  }
0x16a: {  	s20 =	spop (v2sf)  }
0x16b: {  	s21 =	spop (v2sf);
	p0 =	seq.f32 s20, s19  }
0x16c: {  	p1 =	slt.s32 s21, s18  }
0x16d: {  	(v2sf) =	vpush v3, $0x4;
	p2 =	sgt.f32 s20, s19;
	p0 =	por !p0, !p1  }
0x16e: {  	p0 =	por !p0, !p0  }
0x16f: {  	p0 =	por p2, p0  }
0x170: {  	(v2sf) =	vpush v2, $0x4;
	s19 =	smov.u32 @p0 s20;
	s20 =	spop (v2sf)  }
0x171: {  	s18 =	smov.u32 @p0 s21;
	s21 =	spop (v2sf);
	p1 =	seq.f32 s20, s19  }
0x172: {  	p2 =	slt.s32 s21, s18  }
0x173: {  	p3 =	sgt.f32 s20, s19;
	p0 =	por !p1, !p2  }
0x174: {  	p0 =	por !p0, !p0  }
0x175: {  	(v2sf) =	vpush v3, $0x5;
	p0 =	por p3, p0  }
0x176: {  	(v2sf) =	vpush v2, $0x5;
	s19 =	smov.u32 @p0 s20;
	s20 =	spop (v2sf)  }
0x177: {  	s18 =	smov.u32 @p0 s21;
	s21 =	spop (v2sf);
	p4 =	seq.f32 s20, s19  }
0x178: {  	p5 =	slt.s32 s21, s18  }
0x179: {  	p6 =	sgt.f32 s20, s19;
	p0 =	por !p4, !p5  }
0x17a: {  	p0 =	por !p0, !p0  }
0x17b: {  	(v2sf) =	vpush v3, $0x6;
	p0 =	por p6, p0  }
0x17c: {  	s19 =	smov.u32 @p0 s20;
	s20 =	spop (v2sf);
	(v2sf) =	vpush v2, $0x6;
	_ =	sdelay $0x2  }
0x17d: {  	s18 =	smov.u32 @p0 s21;
	s21 =	spop (v2sf);
	p1 =	seq.f32 s20, s19  }
0x17e: {  	p2 =	slt.s32 s21, s18  }
0x17f: {  	p3 =	sgt.f32 s20, s19;
	(v2sf) =	vpush v3, $0x7;
	p0 =	por !p1, !p2  }
0x180: {  	p0 =	por !p0, !p0  }
0x181: {  	p0 =	por p3, p0  }
0x182: {  	s19 =	smov.u32 @p0 s20;
	s20 =	spop (v2sf);
	(v2sf) =	vpush v2, $0x7  }
0x183: {  	s18 =	smov.u32 @p0 s21;
	s21 =	spop (v2sf);
	p4 =	seq.f32 s20, s19  }
0x184: {  	p5 =	slt.s32 s21, s18  }
0x185: {  	p6 =	sgt.f32 s20, s19;
	p0 =	por !p4, !p5  }
0x186: {  	p0 =	por !p0, !p0  }
0x187: {  	(v2sf) =	vpush v3, $0x8;
	p0 =	por p6, p0  }
0x188: {  	s19 =	smov.u32 @p0 s20;
	s20 =	spop (v2sf);
	(v2sf) =	vpush v2, $0x8  }
0x189: {  	s18 =	smov.u32 @p0 s21;
	p1 =	seq.f32 s20, s19;
	s21 =	spop (v2sf)  }
0x18a: {  	p2 =	slt.s32 s21, s18  }
0x18b: {  	p3 =	sgt.f32 s20, s19;
	p0 =	por !p1, !p2  }
0x18c: {  	p0 =	por !p0, !p0  }
0x18d: {  	(v2sf) =	vpush v3, $0x9;
	p0 =	por p3, p0  }
0x18e: {  	s19 =	smov.u32 @p0 s20;
	s20 =	spop (v2sf);
	(v2sf) =	vpush v2, $0x9;
	_ =	sdelay $0x2  }
0x18f: {  	s18 =	smov.u32 @p0 s21;
	s21 =	spop (v2sf);
	p4 =	seq.f32 s20, s19  }
0x190: {  	p5 =	slt.s32 s21, s18  }
0x191: {  	p6 =	sgt.f32 s20, s19;
	(v2sf) =	vpush v3, $0xA;
	p0 =	por !p4, !p5  }
0x192: {  	p0 =	por !p0, !p0  }
0x193: {  	p0 =	por p6, p0  }
0x194: {  	s19 =	smov.u32 @p0 s20;
	s20 =	spop (v2sf);
	(v2sf) =	vpush v2, $0xA  }
0x195: {  	s18 =	smov.u32 @p0 s21;
	s21 =	spop (v2sf);
	p1 =	seq.f32 s20, s19  }
0x196: {  	p2 =	slt.s32 s21, s18  }
0x197: {  	p3 =	sgt.f32 s20, s19;
	p0 =	por !p1, !p2  }
0x198: {  	p0 =	por !p0, !p0  }
0x199: {  	(v2sf) =	vpush v3, $0xB;
	p0 =	por p3, p0  }
0x19a: {  	s19 =	smov.u32 @p0 s20;
	s20 =	spop (v2sf);
	(v2sf) =	vpush v2, $0xB  }
0x19b: {  	s18 =	smov.u32 @p0 s21;
	p4 =	seq.f32 s20, s19;
	s21 =	spop (v2sf)  }
0x19c: {  	p5 =	slt.s32 s21, s18  }
0x19d: {  	p6 =	sgt.f32 s20, s19;
	p0 =	por !p4, !p5  }
0x19e: {  	p0 =	por !p0, !p0  }
0x19f: {  	(v2sf) =	vpush v3, $0xC;
	p0 =	por p6, p0  }
0x1a0: {  	s19 =	smov.u32 @p0 s20;
	s20 =	spop (v2sf);
	(v2sf) =	vpush v2, $0xC;
	_ =	sdelay $0x2  }
0x1a1: {  	s18 =	smov.u32 @p0 s21;
	s21 =	spop (v2sf);
	p1 =	seq.f32 s20, s19  }
0x1a2: {  	p2 =	slt.s32 s21, s18  }
0x1a3: {  	p3 =	sgt.f32 s20, s19;
	(v2sf) =	vpush v3, $0xD;
	p0 =	por !p1, !p2  }
0x1a4: {  	(v2sf) =	vpush v2, $0xD;
	p0 =	por !p0, !p0  }
0x1a5: {  	p0 =	por p3, p0  }
0x1a6: {  	s19 =	smov.u32 @p0 s20;
	s20 =	spop (v2sf)  }
0x1a7: {  	s18 =	smov.u32 @p0 s21;
	s21 =	spop (v2sf);
	p4 =	seq.f32 s20, s19  }
0x1a8: {  	p5 =	slt.s32 s21, s18  }
0x1a9: {  	(v2sf) =	vpush v3, $0xE;
	p6 =	sgt.f32 s20, s19;
	p0 =	por !p4, !p5  }
0x1aa: {  	(v2sf) =	vpush v2, $0xE;
	p0 =	por !p0, !p0  }
0x1ab: {  	p0 =	por p6, p0  }
0x1ac: {  	s19 =	smov.u32 @p0 s20;
	s20 =	spop (v2sf)  }
0x1ad: {  	s18 =	smov.u32 @p0 s21;
	p1 =	seq.f32 s20, s19;
	s21 =	spop (v2sf)  }
0x1ae: {  	(v2sf) =	vpush v3, $0xF;
	p2 =	slt.s32 s21, s18  }
0x1af: {  	p3 =	sgt.f32 s20, s19;
	(v2sf) =	vpush v2, $0xF;
	p0 =	por !p1, !p2  }
0x1b0: {  	p0 =	por !p0, !p0  }
0x1b1: {  	p0 =	por p3, p0  }
0x1b2: {  	s22 =	spop (v2sf);
	s19 =	smov.u32 @p0 s20  }
0x1b3: {  	s20 =	spop (v2sf);
	s18 =	smov.u32 @p0 s21;
	p4 =	seq.f32 s22, s19  }
0x1b4: {  	p5 =	slt.s32 s20, s18  }
0x1b5: {  	p6 =	sgt.f32 s22, s19;
	p0 =	por !p4, !p5  }
0x1b6: {  	p0 =	por !p0, !p0  }
0x1b7: {  	p0 =	por p6, p0  }
0x1b8: {  	s21 =	spop (v2sf);
	s19 =	smov.u32 @p0 s22  }
0x1b9: {  	s22 =	spop (v2sf);
	s18 =	smov.u32 @p0 s20;
	p2 =	seq.f32 s21, s19  }
0x1ba: {  	p3 =	slt.s32 s22, s18  }
0x1bb: {  	p4 =	sgt.f32 s21, s19;
	p0 =	por !p2, !p3  }
0x1bc: {  	p0 =	por !p0, !p0  }
0x1bd: {  	s28 =	spop (v2sf);
	p0 =	por p4, p0  }
0x1be: {  	s19 =	smov.u32 @p0 s21;
	s18 =	smov.u32 @p0 s22;
	s21 =	spop (v2sf)  }
0x1bf: {  	p0 =	seq.f32 s28, s19;
	p1 =	slt.s32 s21, s18;
	s22 =	smov.u32 s18  }
0x1c0: {  	p2 =	sgt.f32 s28, s19;
	s22 =	smov.u32 @p1 s21  }
0x1c1: {  	s18 =	smov.u32 @p0 s22  }
0x1c2: {  	s18 =	smov.u32 @p2 s21  }
0x1c3: {  	s29 =	sand.u32 $0xF, s18  }
0x1c4: {  	s30 =	sshra.s32 s18, $0x1F;
	p5 =	slt.s32 s18, $0x1;
	p6 =	sne.s32 s29, $0x0  }
0x1c5: {  	s31 =	sshrl.u32 s30, $0x1C;
	p0 =	por !p5, !p6  }
0x1c6: {  	s20 =	simm.s32 $0x1;
	s19 =	sadd.s32 s31, s18;
	p0 =	por !p0, !p0  }
0x1c7: {  	s19 =	sshrl.u32 s19, $0x4;
	s20 =	simm.s32 @!p0 $0x0  }
0x1c8: {  	s19 =	ssub.s32 s19, s20  }
0x1c9: {  	s19 =	sshll.u32 s19, $0x4  }
0x1ca: {  	_ =	swait.ge [sflag:s14], $0x8000;
	s18 =	ssub.s32 s18, s19  }
0x1cb: {  	[sflag:s14] =	ssyncset.done $0x0;
	v2 =	vmov s18  }
0x1cc: {  	s16 =	sadd.s32 $0x1, s16;
	[sflag:s14] =	ssyncadd.s32 $0xFFFF8000;
	vm15 =	veq.s32 v2, v1  }
0x1cd: {  	[tilespmem:s17+$0x10000] =	vst v0;
	p0 =	sne.s32 s16, s7;
	v2 =	vsel vm15, $0x3F800000, v0  }
.Ltmp3:
0x1ce: {  	[tilespmem:s19+$0x10000] =	vst v2;
	(pc) =	sbr.rel @p0 .LBB2_1-.Ltmp3, $4  }
0x1cf: {  	[hbm4b:s6+s8] =	stream.strided.scatter [tilespmem:s12], [sflag:$0x4], $0x8000, s9, s8, $0x38;
	[tilespmem:$0x18000] =	vst v63  }
0x1d0: {  	_ =	swait.ge [sflag:s15], $0x8000  }
0x1d1: {  	[sflag:s15] =	ssyncset.done $0x0  }
0x1d2: {  	[sflag:s15] =	ssyncadd.s32 $0xFFFF8000  }
0x1d3: {  	_ =	sfence.sel $0x180000  }
0x1d4: {  	[bflag:$0x0] =	sbarrier.arrive $0xFFFF  }
0x1d5: {  	p0 =	sne.s32 s1, $0x0;
	_ =	strace $0x90000047  }
0x1d6: {  	s0 =	sadd.s32 @!p0 $0x100000, s0;
	[bflag:$0x2] =	sbarrier.arrive $0xFFFF  }
0x1d7: {  	[sflag:s0] =	ssyncadd.tile.s32 @!p0 $0x1;
	_ =	shalt  }
.Lfunc_end2:
_tile_overlayer_lowered:
.L_overlay_start_2:
0x1d8: {  	(tag) =	ssettag $0x2  }
0x1d9: {  	s0 =	rddreg [dreg:$0x0];
	s2 =	stileid.u32  }
0x1da: {  	s1 =	rddreg [dreg:$0x1];
	p0 =	sne.s32 s2, $0x0  }
0x1db: {  	s3 =	rddreg [dreg:$0x2];
	[bflag:$0x3] =	sbarrier.arrive $0xFFFF;
	s2 =	simm.s32 @!p0 $0x1C04  }
0x1dc: {  	[timem:s3], [sflag:s2] =	dma.local @!p0 [hbm:s0], s1  }
0x1dd: {  	s0 =	simm.s32 @!p0 $0x4  }
0x1de: {  	_ =	swait.ge @!p0 [sflag:s0], s1  }
0x1df: {  	s1 =	ssub.s32 @!p0 $0x0, s1;
	[sflag:s0] =	ssyncset.done @!p0 $0x0  }
0x1e0: {  	[sflag:s0] =	ssyncadd.s32 @!p0 s1  }
0x1e1: {  	[bflag:$0x3] =	sbarrier.arrive $0xFFFF  }
0x1e2: {  	_ =	shalt  }

</sc_bundles>
